<compile_context>
chip_gen: v7x
topology: tpu7x:2x2x1
jax: 0.10.2.dev20260603
libtpu: 0.0.44.dev20260713+nightly
codegen_flags: <defaults>
</compile_context>

<pallas_src>
import functools

import jax
import jax.numpy as jnp
from jax import lax
from jax.experimental import pallas as pl
from jax.experimental.pallas import tpu as pltpu
from jax.experimental.pallas import tpu_sc as plsc

MAXLEN = 8192
DM = 768
BATCH = 4
HALF = MAXLEN // 2
NC = 2
NS = 16
NW = NC * NS
K = HALF // NW
C = 64
L = 16

_mesh = plsc.VectorSubcoreMesh(core_axis_name="c", subcore_axis_name="s")


@functools.partial(
    pl.kernel,
    mesh=_mesh,
    out_type=jax.ShapeDtypeStruct((BATCH * MAXLEN, DM), jnp.float32),
    scratch_types=[
        pltpu.VMEM((2, C, DM), jnp.float32),
        pltpu.VMEM((2 * BATCH, C), jnp.int32),
        pltpu.VMEM((1, DM), jnp.float32),
        pltpu.SemaphoreType.DMA,
        pltpu.SemaphoreType.DMA,
    ],
)
def _emb(table_hbm, out_hbm, rows_v, idx_v, row0_v, ssem, wsem):
    wid = lax.axis_index("s") * NC + lax.axis_index("c")
    lane = lax.iota(jnp.int32, L)

    st0 = pltpu.async_copy(table_hbm.at[pl.ds(wid * K, C)], rows_v.at[0], ssem)
    st1 = pltpu.async_copy(table_hbm.at[pl.ds(wid * K + C, C)], rows_v.at[1], ssem)

    for p in range(2):
        for b in range(BATCH):
            base = (b * MAXLEN + HALF) - (wid * K + p * C)
            for j in range(C // L):
                idx_v[p * BATCH + b, pl.ds(j * L, L)] = (base - j * L) - lane

    writes = []
    for p in range(2):
        (st0 if p == 0 else st1).wait()
        s = wid * K + p * C
        for b in range(BATCH):
            writes.append(
                pltpu.async_copy(
                    rows_v.at[p], out_hbm.at[pl.ds(b * MAXLEN + HALF + s, C)], wsem
                )
            )
            writes.append(
                pltpu.async_copy(rows_v.at[p], out_hbm.at[idx_v.at[p * BATCH + b]], wsem)
            )

    @pl.when(wid == 0)
    def _():
        pltpu.sync_copy(table_hbm.at[pl.ds(HALF, 1)], row0_v)
        for b in range(BATCH):
            pltpu.sync_copy(row0_v, out_hbm.at[pl.ds(b * MAXLEN, 1)])

    for cp in writes:
        cp.wait()


def kernel(x, table):
    del x
    return _emb(table).reshape(BATCH, MAXLEN, DM)

# --- scband reference (transcript-rebuilt; emitter-appended) ---
"""Pipeline reference for scband-relative-positional-embedding-16011638080017 (READ-ONLY COPY).

The authoritative reference and input builder live on the scoring server;
editing this copy changes nothing except your own understanding.
"""

import jax, jax.numpy as jnp
import numpy as np

MAX_LEN = 8192
D_MODEL = 768
BATCH = 4


def setup_inputs(seed: int = 0) -> dict:
    key = jax.random.key(seed)
    k1, k2 = jax.random.split(key)
    x = jax.random.normal(k1, (BATCH, MAX_LEN, D_MODEL), dtype=jnp.float32)
    # Embedding table (learned param), keras Embedding default init is uniform(-0.05, 0.05)
    table = jax.random.uniform(k2, (MAX_LEN, D_MODEL), minval=-0.05, maxval=0.05, dtype=jnp.float32)
    return {"x": x, "table": table}


def reference(x, table):
    batch = x.shape[0]
    # relative position indices: abs(i - max_len//2) for i in range(max_len)
    rel_idx = jnp.abs(jnp.arange(MAX_LEN, dtype=jnp.int32) - MAX_LEN // 2)
    rel_idx = jnp.tile(rel_idx[None, :], (batch, 1))  # [batch, max_len]
    # embedding lookup -> [batch, max_len, d_model]
    return jnp.take(table, rel_idx, axis=0)

if __name__ == "__main__":
    import jax
    _d = setup_inputs()
    print(jax.jit(kernel)(*tuple(_d.values())))

</pallas_src>

<mosaic_0001>
#map = affine_map<(d0, d1) -> (0, 0)>
module attributes {stable_mosaic.version = 14 : i64} {
  func.func @_emb(%arg0: i32, %arg1: i32, %arg2: memref<8192x768xf32, #tpu.memory_space<hbm>>, %arg3: memref<32768x768xf32, #tpu.memory_space<hbm>>, %arg4: memref<2x64x768xf32, #tpu.memory_space<vmem>>, %arg5: memref<8x64xi32, #tpu.memory_space<vmem>>, %arg6: memref<1x768xf32, #tpu.memory_space<vmem>>, %arg7: memref<!tpu.dma_semaphore, #tpu.memory_space<semaphore_mem>>, %arg8: memref<!tpu.dma_semaphore, #tpu.memory_space<semaphore_mem>>) attributes {dimension_semantics = [#tpu.dimension_semantics<core_parallel>, #tpu.dimension_semantics<subcore_parallel>], iteration_bounds = array<i64: 2, 16>, scalar_prefetch = 0 : i64, scratch_operands = 5 : i64, tpu.core_type = #tpu.core_type<sc_vector_subcore>, window_params = [{transform_indices = #map}, {transform_indices = #map}]} {
    %mul3A = arith.constant 2 : i32
    %mul3A_0 = arith.muli %arg1, %mul3A : i32
    %add3A = arith.addi %mul3A_0, %arg0 : i32
    %iota3A = tpu.iota {dimensions = array<i32: 0>} : vector<16xi32>
    %mul3A_1 = arith.constant 128 : i32
    %mul3A_2 = arith.muli %add3A, %mul3A_1 : i32
    %dma_start3A = arith.constant 0 : i32
    %dma_start3A_3 = arith.constant 0 : i32
    %dma_start3A_4 = arith.constant 0 : i32
    %dma_start3A_5 = tpu.memref_slice %arg4[%dma_start3A, %dma_start3A_3, %dma_start3A_4] : memref<2x64x768xf32, #tpu.memory_space<vmem>> -> memref<1x64x768xf32, #tpu.memory_space<vmem>>
    %dma_start3A_6 = tpu.memref_squeeze %dma_start3A_5 : memref<1x64x768xf32, #tpu.memory_space<vmem>> -> memref<64x768xf32, #tpu.memory_space<vmem>>
    %dma_start3A_7 = arith.constant 0 : i32
    %dma_start3A_8 = tpu.memref_slice %arg2[%mul3A_2, %dma_start3A_7] : memref<8192x768xf32, #tpu.memory_space<hbm>> -> memref<64x768xf32, #tpu.memory_space<hbm>>
    %dma_start3A_9 = arith.constant 0 : i32
    %dma_start3A_10 = arith.constant 0 : i32
    %dma_start3A_11 = tpu.memref_slice %arg4[%dma_start3A, %dma_start3A_9, %dma_start3A_10] : memref<2x64x768xf32, #tpu.memory_space<vmem>> -> memref<1x64x768xf32, #tpu.memory_space<vmem>>
    %dma_start3A_12 = tpu.memref_squeeze %dma_start3A_11 : memref<1x64x768xf32, #tpu.memory_space<vmem>> -> memref<64x768xf32, #tpu.memory_space<vmem>>
    %dma_start3A_13 = arith.constant 0 : i32
    %dma_start3A_14 = tpu.memref_slice %arg2[%mul3A_2, %dma_start3A_13] : memref<8192x768xf32, #tpu.memory_space<hbm>> -> memref<64x768xf32, #tpu.memory_space<hbm>>
    tpu.enqueue_dma source(%dma_start3A_14 : memref<64x768xf32, #tpu.memory_space<hbm>>) target(%dma_start3A_12 : memref<64x768xf32, #tpu.memory_space<vmem>>) target_semaphore(%arg7 : memref<!tpu.dma_semaphore, #tpu.memory_space<semaphore_mem>>)
    %mul3A_15 = arith.constant 128 : i32
    %mul3A_16 = arith.muli %add3A, %mul3A_15 : i32
    %add3A_17 = arith.constant 64 : i32
    %add3A_18 = arith.addi %mul3A_16, %add3A_17 : i32
    %dma_start3A_19 = arith.constant 1 : i32
    %dma_start3A_20 = arith.constant 0 : i32
    %dma_start3A_21 = arith.constant 0 : i32
    %dma_start3A_22 = tpu.memref_slice %arg4[%dma_start3A_19, %dma_start3A_20, %dma_start3A_21] : memref<2x64x768xf32, #tpu.memory_space<vmem>> -> memref<1x64x768xf32, #tpu.memory_space<vmem>>
    %dma_start3A_23 = tpu.memref_squeeze %dma_start3A_22 : memref<1x64x768xf32, #tpu.memory_space<vmem>> -> memref<64x768xf32, #tpu.memory_space<vmem>>
    %dma_start3A_24 = arith.constant 0 : i32
    %dma_start3A_25 = tpu.memref_slice %arg2[%add3A_18, %dma_start3A_24] : memref<8192x768xf32, #tpu.memory_space<hbm>> -> memref<64x768xf32, #tpu.memory_space<hbm>>
    %dma_start3A_26 = arith.constant 0 : i32
    %dma_start3A_27 = arith.constant 0 : i32
    %dma_start3A_28 = tpu.memref_slice %arg4[%dma_start3A_19, %dma_start3A_26, %dma_start3A_27] : memref<2x64x768xf32, #tpu.memory_space<vmem>> -> memref<1x64x768xf32, #tpu.memory_space<vmem>>
    %dma_start3A_29 = tpu.memref_squeeze %dma_start3A_28 : memref<1x64x768xf32, #tpu.memory_space<vmem>> -> memref<64x768xf32, #tpu.memory_space<vmem>>
    %dma_start3A_30 = arith.constant 0 : i32
    %dma_start3A_31 = tpu.memref_slice %arg2[%add3A_18, %dma_start3A_30] : memref<8192x768xf32, #tpu.memory_space<hbm>> -> memref<64x768xf32, #tpu.memory_space<hbm>>
    tpu.enqueue_dma source(%dma_start3A_31 : memref<64x768xf32, #tpu.memory_space<hbm>>) target(%dma_start3A_29 : memref<64x768xf32, #tpu.memory_space<vmem>>) target_semaphore(%arg7 : memref<!tpu.dma_semaphore, #tpu.memory_space<semaphore_mem>>)
    %mul3A_32 = arith.constant 128 : i32
    %mul3A_33 = arith.muli %add3A, %mul3A_32 : i32
    %add3A_34 = arith.constant 0 : i32
    %add3A_35 = arith.addi %mul3A_33, %add3A_34 : i32
    %sub3A = arith.constant 4096 : i32
    %sub3A_36 = arith.subi %sub3A, %add3A_35 : i32
    %sub3A_37 = arith.constant 0 : i32
    %sub3A_38 = arith.subi %sub3A_36, %sub3A_37 : i32
    %sub3A_39 = vector.broadcast %sub3A_38 : i32 to vector<16xi32>
    %sub3A_40 = arith.subi %sub3A_39, %iota3A : vector<16xi32>
    %swap3A = arith.constant 0 : i32
    %swap3A_41 = arith.index_cast %swap3A : i32 to index
    %swap3A_42 = arith.constant 0 : index
    %swap3A_43 = tpu.vector_load %arg5[%swap3A_41, %swap3A_42] {strides = array<i32>} : memref<8x64xi32, #tpu.memory_space<vmem>>, vector<1x16xi32>,
    %swap3A_44 = vector.shape_cast %swap3A_43 : vector<1x16xi32> to vector<16xi32>
    %swap3A_45 = vector.shape_cast %sub3A_40 : vector<16xi32> to vector<1x16xi32>
    tpu.vector_store %arg5[%swap3A_41, %swap3A_42], %swap3A_45 {strides = array<i32>} : memref<8x64xi32, #tpu.memory_space<vmem>>, vector<1x16xi32>,
    %sub3A_46 = arith.constant 16 : i32
    %sub3A_47 = arith.subi %sub3A_36, %sub3A_46 : i32
    %sub3A_48 = vector.broadcast %sub3A_47 : i32 to vector<16xi32>
    %sub3A_49 = arith.subi %sub3A_48, %iota3A : vector<16xi32>
    %swap3A_50 = arith.constant 0 : i32
    %swap3A_51 = arith.index_cast %swap3A_50 : i32 to index
    %swap3A_52 = arith.constant 16 : index
    %swap3A_53 = tpu.vector_load %arg5[%swap3A_51, %swap3A_52] {strides = array<i32>} : memref<8x64xi32, #tpu.memory_space<vmem>>, vector<1x16xi32>,
    %swap3A_54 = vector.shape_cast %swap3A_53 : vector<1x16xi32> to vector<16xi32>
    %swap3A_55 = vector.shape_cast %sub3A_49 : vector<16xi32> to vector<1x16xi32>
    tpu.vector_store %arg5[%swap3A_51, %swap3A_52], %swap3A_55 {strides = array<i32>} : memref<8x64xi32, #tpu.memory_space<vmem>>, vector<1x16xi32>,
    %sub3A_56 = arith.constant 32 : i32
    %sub3A_57 = arith.subi %sub3A_36, %sub3A_56 : i32
    %sub3A_58 = vector.broadcast %sub3A_57 : i32 to vector<16xi32>
    %sub3A_59 = arith.subi %sub3A_58, %iota3A : vector<16xi32>
    %swap3A_60 = arith.constant 0 : i32
    %swap3A_61 = arith.index_cast %swap3A_60 : i32 to index
    %swap3A_62 = arith.constant 32 : index
    %swap3A_63 = tpu.vector_load %arg5[%swap3A_61, %swap3A_62] {strides = array<i32>} : memref<8x64xi32, #tpu.memory_space<vmem>>, vector<1x16xi32>,
    %swap3A_64 = vector.shape_cast %swap3A_63 : vector<1x16xi32> to vector<16xi32>
    %swap3A_65 = vector.shape_cast %sub3A_59 : vector<16xi32> to vector<1x16xi32>
    tpu.vector_store %arg5[%swap3A_61, %swap3A_62], %swap3A_65 {strides = array<i32>} : memref<8x64xi32, #tpu.memory_space<vmem>>, vector<1x16xi32>,
    %sub3A_66 = arith.constant 48 : i32
    %sub3A_67 = arith.subi %sub3A_36, %sub3A_66 : i32
    %sub3A_68 = vector.broadcast %sub3A_67 : i32 to vector<16xi32>
    %sub3A_69 = arith.subi %sub3A_68, %iota3A : vector<16xi32>
    %swap3A_70 = arith.constant 0 : i32
    %swap3A_71 = arith.index_cast %swap3A_70 : i32 to index
    %swap3A_72 = arith.constant 48 : index
    %swap3A_73 = tpu.vector_load %arg5[%swap3A_71, %swap3A_72] {strides = array<i32>} : memref<8x64xi32, #tpu.memory_space<vmem>>, vector<1x16xi32>,
    %swap3A_74 = vector.shape_cast %swap3A_73 : vector<1x16xi32> to vector<16xi32>
    %swap3A_75 = vector.shape_cast %sub3A_69 : vector<16xi32> to vector<1x16xi32>
    tpu.vector_store %arg5[%swap3A_71, %swap3A_72], %swap3A_75 {strides = array<i32>} : memref<8x64xi32, #tpu.memory_space<vmem>>, vector<1x16xi32>,
    %mul3A_76 = arith.constant 128 : i32
    %mul3A_77 = arith.muli %add3A, %mul3A_76 : i32
    %add3A_78 = arith.constant 0 : i32
    %add3A_79 = arith.addi %mul3A_77, %add3A_78 : i32
    %sub3A_80 = arith.constant 12288 : i32
    %sub3A_81 = arith.subi %sub3A_80, %add3A_79 : i32
    %sub3A_82 = arith.constant 0 : i32
    %sub3A_83 = arith.subi %sub3A_81, %sub3A_82 : i32
    %sub3A_84 = vector.broadcast %sub3A_83 : i32 to vector<16xi32>
    %sub3A_85 = arith.subi %sub3A_84, %iota3A : vector<16xi32>
    %swap3A_86 = arith.constant 1 : i32
    %swap3A_87 = arith.index_cast %swap3A_86 : i32 to index
    %swap3A_88 = arith.constant 0 : index
    %swap3A_89 = tpu.vector_load %arg5[%swap3A_87, %swap3A_88] {strides = array<i32>} : memref<8x64xi32, #tpu.memory_space<vmem>>, vector<1x16xi32>,
    %swap3A_90 = vector.shape_cast %swap3A_89 : vector<1x16xi32> to vector<16xi32>
    %swap3A_91 = vector.shape_cast %sub3A_85 : vector<16xi32> to vector<1x16xi32>
    tpu.vector_store %arg5[%swap3A_87, %swap3A_88], %swap3A_91 {strides = array<i32>} : memref<8x64xi32, #tpu.memory_space<vmem>>, vector<1x16xi32>,
    %sub3A_92 = arith.constant 16 : i32
    %sub3A_93 = arith.subi %sub3A_81, %sub3A_92 : i32
    %sub3A_94 = vector.broadcast %sub3A_93 : i32 to vector<16xi32>
    %sub3A_95 = arith.subi %sub3A_94, %iota3A : vector<16xi32>
    %swap3A_96 = arith.constant 1 : i32
    %swap3A_97 = arith.index_cast %swap3A_96 : i32 to index
    %swap3A_98 = arith.constant 16 : index
    %swap3A_99 = tpu.vector_load %arg5[%swap3A_97, %swap3A_98] {strides = array<i32>} : memref<8x64xi32, #tpu.memory_space<vmem>>, vector<1x16xi32>,
    %swap3A_100 = vector.shape_cast %swap3A_99 : vector<1x16xi32> to vector<16xi32>
    %swap3A_101 = vector.shape_cast %sub3A_95 : vector<16xi32> to vector<1x16xi32>
    tpu.vector_store %arg5[%swap3A_97, %swap3A_98], %swap3A_101 {strides = array<i32>} : memref<8x64xi32, #tpu.memory_space<vmem>>, vector<1x16xi32>,
    %sub3A_102 = arith.constant 32 : i32
    %sub3A_103 = arith.subi %sub3A_81, %sub3A_102 : i32
    %sub3A_104 = vector.broadcast %sub3A_103 : i32 to vector<16xi32>
    %sub3A_105 = arith.subi %sub3A_104, %iota3A : vector<16xi32>
    %swap3A_106 = arith.constant 1 : i32
    %swap3A_107 = arith.index_cast %swap3A_106 : i32 to index
    %swap3A_108 = arith.constant 32 : index
    %swap3A_109 = tpu.vector_load %arg5[%swap3A_107, %swap3A_108] {strides = array<i32>} : memref<8x64xi32, #tpu.memory_space<vmem>>, vector<1x16xi32>,
    %swap3A_110 = vector.shape_cast %swap3A_109 : vector<1x16xi32> to vector<16xi32>
    %swap3A_111 = vector.shape_cast %sub3A_105 : vector<16xi32> to vector<1x16xi32>
    tpu.vector_store %arg5[%swap3A_107, %swap3A_108], %swap3A_111 {strides = array<i32>} : memref<8x64xi32, #tpu.memory_space<vmem>>, vector<1x16xi32>,
    %sub3A_112 = arith.constant 48 : i32
    %sub3A_113 = arith.subi %sub3A_81, %sub3A_112 : i32
    %sub3A_114 = vector.broadcast %sub3A_113 : i32 to vector<16xi32>
    %sub3A_115 = arith.subi %sub3A_114, %iota3A : vector<16xi32>
    %swap3A_116 = arith.constant 1 : i32
    %swap3A_117 = arith.index_cast %swap3A_116 : i32 to index
    %swap3A_118 = arith.constant 48 : index
    %swap3A_119 = tpu.vector_load %arg5[%swap3A_117, %swap3A_118] {strides = array<i32>} : memref<8x64xi32, #tpu.memory_space<vmem>>, vector<1x16xi32>,
    %swap3A_120 = vector.shape_cast %swap3A_119 : vector<1x16xi32> to vector<16xi32>
    %swap3A_121 = vector.shape_cast %sub3A_115 : vector<16xi32> to vector<1x16xi32>
    tpu.vector_store %arg5[%swap3A_117, %swap3A_118], %swap3A_121 {strides = array<i32>} : memref<8x64xi32, #tpu.memory_space<vmem>>, vector<1x16xi32>,
    %mul3A_122 = arith.constant 128 : i32
    %mul3A_123 = arith.muli %add3A, %mul3A_122 : i32
    %add3A_124 = arith.constant 0 : i32
    %add3A_125 = arith.addi %mul3A_123, %add3A_124 : i32
    %sub3A_126 = arith.constant 20480 : i32
    %sub3A_127 = arith.subi %sub3A_126, %add3A_125 : i32
    %sub3A_128 = arith.constant 0 : i32
    %sub3A_129 = arith.subi %sub3A_127, %sub3A_128 : i32
    %sub3A_130 = vector.broadcast %sub3A_129 : i32 to vector<16xi32>
    %sub3A_131 = arith.subi %sub3A_130, %iota3A : vector<16xi32>
    %swap3A_132 = arith.constant 2 : i32
    %swap3A_133 = arith.index_cast %swap3A_132 : i32 to index
    %swap3A_134 = arith.constant 0 : index
    %swap3A_135 = tpu.vector_load %arg5[%swap3A_133, %swap3A_134] {strides = array<i32>} : memref<8x64xi32, #tpu.memory_space<vmem>>, vector<1x16xi32>,
    %swap3A_136 = vector.shape_cast %swap3A_135 : vector<1x16xi32> to vector<16xi32>
    %swap3A_137 = vector.shape_cast %sub3A_131 : vector<16xi32> to vector<1x16xi32>
    tpu.vector_store %arg5[%swap3A_133, %swap3A_134], %swap3A_137 {strides = array<i32>} : memref<8x64xi32, #tpu.memory_space<vmem>>, vector<1x16xi32>,
    %sub3A_138 = arith.constant 16 : i32
    %sub3A_139 = arith.subi %sub3A_127, %sub3A_138 : i32
    %sub3A_140 = vector.broadcast %sub3A_139 : i32 to vector<16xi32>
    %sub3A_141 = arith.subi %sub3A_140, %iota3A : vector<16xi32>
    %swap3A_142 = arith.constant 2 : i32
    %swap3A_143 = arith.index_cast %swap3A_142 : i32 to index
    %swap3A_144 = arith.constant 16 : index
    %swap3A_145 = tpu.vector_load %arg5[%swap3A_143, %swap3A_144] {strides = array<i32>} : memref<8x64xi32, #tpu.memory_space<vmem>>, vector<1x16xi32>,
    %swap3A_146 = vector.shape_cast %swap3A_145 : vector<1x16xi32> to vector<16xi32>
    %swap3A_147 = vector.shape_cast %sub3A_141 : vector<16xi32> to vector<1x16xi32>
    tpu.vector_store %arg5[%swap3A_143, %swap3A_144], %swap3A_147 {strides = array<i32>} : memref<8x64xi32, #tpu.memory_space<vmem>>, vector<1x16xi32>,
    %sub3A_148 = arith.constant 32 : i32
    %sub3A_149 = arith.subi %sub3A_127, %sub3A_148 : i32
    %sub3A_150 = vector.broadcast %sub3A_149 : i32 to vector<16xi32>
    %sub3A_151 = arith.subi %sub3A_150, %iota3A : vector<16xi32>
    %swap3A_152 = arith.constant 2 : i32
    %swap3A_153 = arith.index_cast %swap3A_152 : i32 to index
    %swap3A_154 = arith.constant 32 : index
    %swap3A_155 = tpu.vector_load %arg5[%swap3A_153, %swap3A_154] {strides = array<i32>} : memref<8x64xi32, #tpu.memory_space<vmem>>, vector<1x16xi32>,
    %swap3A_156 = vector.shape_cast %swap3A_155 : vector<1x16xi32> to vector<16xi32>
    %swap3A_157 = vector.shape_cast %sub3A_151 : vector<16xi32> to vector<1x16xi32>
    tpu.vector_store %arg5[%swap3A_153, %swap3A_154], %swap3A_157 {strides = array<i32>} : memref<8x64xi32, #tpu.memory_space<vmem>>, vector<1x16xi32>,
    %sub3A_158 = arith.constant 48 : i32
    %sub3A_159 = arith.subi %sub3A_127, %sub3A_158 : i32
    %sub3A_160 = vector.broadcast %sub3A_159 : i32 to vector<16xi32>
    %sub3A_161 = arith.subi %sub3A_160, %iota3A : vector<16xi32>
    %swap3A_162 = arith.constant 2 : i32
    %swap3A_163 = arith.index_cast %swap3A_162 : i32 to index
    %swap3A_164 = arith.constant 48 : index
    %swap3A_165 = tpu.vector_load %arg5[%swap3A_163, %swap3A_164] {strides = array<i32>} : memref<8x64xi32, #tpu.memory_space<vmem>>, vector<1x16xi32>,
    %swap3A_166 = vector.shape_cast %swap3A_165 : vector<1x16xi32> to vector<16xi32>
    %swap3A_167 = vector.shape_cast %sub3A_161 : vector<16xi32> to vector<1x16xi32>
    tpu.vector_store %arg5[%swap3A_163, %swap3A_164], %swap3A_167 {strides = array<i32>} : memref<8x64xi32, #tpu.memory_space<vmem>>, vector<1x16xi32>,
    %mul3A_168 = arith.constant 128 : i32
    %mul3A_169 = arith.muli %add3A, %mul3A_168 : i32
    %add3A_170 = arith.constant 0 : i32
    %add3A_171 = arith.addi %mul3A_169, %add3A_170 : i32
    %sub3A_172 = arith.constant 28672 : i32
    %sub3A_173 = arith.subi %sub3A_172, %add3A_171 : i32
    %sub3A_174 = arith.constant 0 : i32
    %sub3A_175 = arith.subi %sub3A_173, %sub3A_174 : i32
    %sub3A_176 = vector.broadcast %sub3A_175 : i32 to vector<16xi32>
    %sub3A_177 = arith.subi %sub3A_176, %iota3A : vector<16xi32>
    %swap3A_178 = arith.constant 3 : i32
    %swap3A_179 = arith.index_cast %swap3A_178 : i32 to index
    %swap3A_180 = arith.constant 0 : index
    %swap3A_181 = tpu.vector_load %arg5[%swap3A_179, %swap3A_180] {strides = array<i32>} : memref<8x64xi32, #tpu.memory_space<vmem>>, vector<1x16xi32>,
    %swap3A_182 = vector.shape_cast %swap3A_181 : vector<1x16xi32> to vector<16xi32>
    %swap3A_183 = vector.shape_cast %sub3A_177 : vector<16xi32> to vector<1x16xi32>
    tpu.vector_store %arg5[%swap3A_179, %swap3A_180], %swap3A_183 {strides = array<i32>} : memref<8x64xi32, #tpu.memory_space<vmem>>, vector<1x16xi32>,
    %sub3A_184 = arith.constant 16 : i32
    %sub3A_185 = arith.subi %sub3A_173, %sub3A_184 : i32
    %sub3A_186 = vector.broadcast %sub3A_185 : i32 to vector<16xi32>
    %sub3A_187 = arith.subi %sub3A_186, %iota3A : vector<16xi32>
    %swap3A_188 = arith.constant 3 : i32
    %swap3A_189 = arith.index_cast %swap3A_188 : i32 to index
    %swap3A_190 = arith.constant 16 : index
    %swap3A_191 = tpu.vector_load %arg5[%swap3A_189, %swap3A_190] {strides = array<i32>} : memref<8x64xi32, #tpu.memory_space<vmem>>, vector<1x16xi32>,
    %swap3A_192 = vector.shape_cast %swap3A_191 : vector<1x16xi32> to vector<16xi32>
    %swap3A_193 = vector.shape_cast %sub3A_187 : vector<16xi32> to vector<1x16xi32>
    tpu.vector_store %arg5[%swap3A_189, %swap3A_190], %swap3A_193 {strides = array<i32>} : memref<8x64xi32, #tpu.memory_space<vmem>>, vector<1x16xi32>,
    %sub3A_194 = arith.constant 32 : i32
    %sub3A_195 = arith.subi %sub3A_173, %sub3A_194 : i32
    %sub3A_196 = vector.broadcast %sub3A_195 : i32 to vector<16xi32>
    %sub3A_197 = arith.subi %sub3A_196, %iota3A : vector<16xi32>
    %swap3A_198 = arith.constant 3 : i32
    %swap3A_199 = arith.index_cast %swap3A_198 : i32 to index
    %swap3A_200 = arith.constant 32 : index
    %swap3A_201 = tpu.vector_load %arg5[%swap3A_199, %swap3A_200] {strides = array<i32>} : memref<8x64xi32, #tpu.memory_space<vmem>>, vector<1x16xi32>,
    %swap3A_202 = vector.shape_cast %swap3A_201 : vector<1x16xi32> to vector<16xi32>
    %swap3A_203 = vector.shape_cast %sub3A_197 : vector<16xi32> to vector<1x16xi32>
    tpu.vector_store %arg5[%swap3A_199, %swap3A_200], %swap3A_203 {strides = array<i32>} : memref<8x64xi32, #tpu.memory_space<vmem>>, vector<1x16xi32>,
    %sub3A_204 = arith.constant 48 : i32
    %sub3A_205 = arith.subi %sub3A_173, %sub3A_204 : i32
    %sub3A_206 = vector.broadcast %sub3A_205 : i32 to vector<16xi32>
    %sub3A_207 = arith.subi %sub3A_206, %iota3A : vector<16xi32>
    %swap3A_208 = arith.constant 3 : i32
    %swap3A_209 = arith.index_cast %swap3A_208 : i32 to index
    %swap3A_210 = arith.constant 48 : index
    %swap3A_211 = tpu.vector_load %arg5[%swap3A_209, %swap3A_210] {strides = array<i32>} : memref<8x64xi32, #tpu.memory_space<vmem>>, vector<1x16xi32>,
    %swap3A_212 = vector.shape_cast %swap3A_211 : vector<1x16xi32> to vector<16xi32>
    %swap3A_213 = vector.shape_cast %sub3A_207 : vector<16xi32> to vector<1x16xi32>
    tpu.vector_store %arg5[%swap3A_209, %swap3A_210], %swap3A_213 {strides = array<i32>} : memref<8x64xi32, #tpu.memory_space<vmem>>, vector<1x16xi32>,
    %mul3A_214 = arith.constant 128 : i32
    %mul3A_215 = arith.muli %add3A, %mul3A_214 : i32
    %add3A_216 = arith.constant 64 : i32
    %add3A_217 = arith.addi %mul3A_215, %add3A_216 : i32
    %sub3A_218 = arith.constant 4096 : i32
    %sub3A_219 = arith.subi %sub3A_218, %add3A_217 : i32
    %sub3A_220 = arith.constant 0 : i32
    %sub3A_221 = arith.subi %sub3A_219, %sub3A_220 : i32
    %sub3A_222 = vector.broadcast %sub3A_221 : i32 to vector<16xi32>
    %sub3A_223 = arith.subi %sub3A_222, %iota3A : vector<16xi32>
    %swap3A_224 = arith.constant 4 : i32
    %swap3A_225 = arith.index_cast %swap3A_224 : i32 to index
    %swap3A_226 = arith.constant 0 : index
    %swap3A_227 = tpu.vector_load %arg5[%swap3A_225, %swap3A_226] {strides = array<i32>} : memref<8x64xi32, #tpu.memory_space<vmem>>, vector<1x16xi32>,
    %swap3A_228 = vector.shape_cast %swap3A_227 : vector<1x16xi32> to vector<16xi32>
    %swap3A_229 = vector.shape_cast %sub3A_223 : vector<16xi32> to vector<1x16xi32>
    tpu.vector_store %arg5[%swap3A_225, %swap3A_226], %swap3A_229 {strides = array<i32>} : memref<8x64xi32, #tpu.memory_space<vmem>>, vector<1x16xi32>,
    %sub3A_230 = arith.constant 16 : i32
    %sub3A_231 = arith.subi %sub3A_219, %sub3A_230 : i32
    %sub3A_232 = vector.broadcast %sub3A_231 : i32 to vector<16xi32>
    %sub3A_233 = arith.subi %sub3A_232, %iota3A : vector<16xi32>
    %swap3A_234 = arith.constant 4 : i32
    %swap3A_235 = arith.index_cast %swap3A_234 : i32 to index
    %swap3A_236 = arith.constant 16 : index
    %swap3A_237 = tpu.vector_load %arg5[%swap3A_235, %swap3A_236] {strides = array<i32>} : memref<8x64xi32, #tpu.memory_space<vmem>>, vector<1x16xi32>,
    %swap3A_238 = vector.shape_cast %swap3A_237 : vector<1x16xi32> to vector<16xi32>
    %swap3A_239 = vector.shape_cast %sub3A_233 : vector<16xi32> to vector<1x16xi32>
    tpu.vector_store %arg5[%swap3A_235, %swap3A_236], %swap3A_239 {strides = array<i32>} : memref<8x64xi32, #tpu.memory_space<vmem>>, vector<1x16xi32>,
    %sub3A_240 = arith.constant 32 : i32
    %sub3A_241 = arith.subi %sub3A_219, %sub3A_240 : i32
    %sub3A_242 = vector.broadcast %sub3A_241 : i32 to vector<16xi32>
    %sub3A_243 = arith.subi %sub3A_242, %iota3A : vector<16xi32>
    %swap3A_244 = arith.constant 4 : i32
    %swap3A_245 = arith.index_cast %swap3A_244 : i32 to index
    %swap3A_246 = arith.constant 32 : index
    %swap3A_247 = tpu.vector_load %arg5[%swap3A_245, %swap3A_246] {strides = array<i32>} : memref<8x64xi32, #tpu.memory_space<vmem>>, vector<1x16xi32>,
    %swap3A_248 = vector.shape_cast %swap3A_247 : vector<1x16xi32> to vector<16xi32>
    %swap3A_249 = vector.shape_cast %sub3A_243 : vector<16xi32> to vector<1x16xi32>
    tpu.vector_store %arg5[%swap3A_245, %swap3A_246], %swap3A_249 {strides = array<i32>} : memref<8x64xi32, #tpu.memory_space<vmem>>, vector<1x16xi32>,
    %sub3A_250 = arith.constant 48 : i32
    %sub3A_251 = arith.subi %sub3A_219, %sub3A_250 : i32
    %sub3A_252 = vector.broadcast %sub3A_251 : i32 to vector<16xi32>
    %sub3A_253 = arith.subi %sub3A_252, %iota3A : vector<16xi32>
    %swap3A_254 = arith.constant 4 : i32
    %swap3A_255 = arith.index_cast %swap3A_254 : i32 to index
    %swap3A_256 = arith.constant 48 : index
    %swap3A_257 = tpu.vector_load %arg5[%swap3A_255, %swap3A_256] {strides = array<i32>} : memref<8x64xi32, #tpu.memory_space<vmem>>, vector<1x16xi32>,
    %swap3A_258 = vector.shape_cast %swap3A_257 : vector<1x16xi32> to vector<16xi32>
    %swap3A_259 = vector.shape_cast %sub3A_253 : vector<16xi32> to vector<1x16xi32>
    tpu.vector_store %arg5[%swap3A_255, %swap3A_256], %swap3A_259 {strides = array<i32>} : memref<8x64xi32, #tpu.memory_space<vmem>>, vector<1x16xi32>,
    %mul3A_260 = arith.constant 128 : i32
    %mul3A_261 = arith.muli %add3A, %mul3A_260 : i32
    %add3A_262 = arith.constant 64 : i32
    %add3A_263 = arith.addi %mul3A_261, %add3A_262 : i32
    %sub3A_264 = arith.constant 12288 : i32
    %sub3A_265 = arith.subi %sub3A_264, %add3A_263 : i32
    %sub3A_266 = arith.constant 0 : i32
    %sub3A_267 = arith.subi %sub3A_265, %sub3A_266 : i32
    %sub3A_268 = vector.broadcast %sub3A_267 : i32 to vector<16xi32>
    %sub3A_269 = arith.subi %sub3A_268, %iota3A : vector<16xi32>
    %swap3A_270 = arith.constant 5 : i32
    %swap3A_271 = arith.index_cast %swap3A_270 : i32 to index
    %swap3A_272 = arith.constant 0 : index
    %swap3A_273 = tpu.vector_load %arg5[%swap3A_271, %swap3A_272] {strides = array<i32>} : memref<8x64xi32, #tpu.memory_space<vmem>>, vector<1x16xi32>,
    %swap3A_274 = vector.shape_cast %swap3A_273 : vector<1x16xi32> to vector<16xi32>
    %swap3A_275 = vector.shape_cast %sub3A_269 : vector<16xi32> to vector<1x16xi32>
    tpu.vector_store %arg5[%swap3A_271, %swap3A_272], %swap3A_275 {strides = array<i32>} : memref<8x64xi32, #tpu.memory_space<vmem>>, vector<1x16xi32>,
    %sub3A_276 = arith.constant 16 : i32
    %sub3A_277 = arith.subi %sub3A_265, %sub3A_276 : i32
    %sub3A_278 = vector.broadcast %sub3A_277 : i32 to vector<16xi32>
    %sub3A_279 = arith.subi %sub3A_278, %iota3A : vector<16xi32>
    %swap3A_280 = arith.constant 5 : i32
    %swap3A_281 = arith.index_cast %swap3A_280 : i32 to index
    %swap3A_282 = arith.constant 16 : index
    %swap3A_283 = tpu.vector_load %arg5[%swap3A_281, %swap3A_282] {strides = array<i32>} : memref<8x64xi32, #tpu.memory_space<vmem>>, vector<1x16xi32>,
    %swap3A_284 = vector.shape_cast %swap3A_283 : vector<1x16xi32> to vector<16xi32>
    %swap3A_285 = vector.shape_cast %sub3A_279 : vector<16xi32> to vector<1x16xi32>
    tpu.vector_store %arg5[%swap3A_281, %swap3A_282], %swap3A_285 {strides = array<i32>} : memref<8x64xi32, #tpu.memory_space<vmem>>, vector<1x16xi32>,
    %sub3A_286 = arith.constant 32 : i32
    %sub3A_287 = arith.subi %sub3A_265, %sub3A_286 : i32
    %sub3A_288 = vector.broadcast %sub3A_287 : i32 to vector<16xi32>
    %sub3A_289 = arith.subi %sub3A_288, %iota3A : vector<16xi32>
    %swap3A_290 = arith.constant 5 : i32
    %swap3A_291 = arith.index_cast %swap3A_290 : i32 to index
    %swap3A_292 = arith.constant 32 : index
    %swap3A_293 = tpu.vector_load %arg5[%swap3A_291, %swap3A_292] {strides = array<i32>} : memref<8x64xi32, #tpu.memory_space<vmem>>, vector<1x16xi32>,
    %swap3A_294 = vector.shape_cast %swap3A_293 : vector<1x16xi32> to vector<16xi32>
    %swap3A_295 = vector.shape_cast %sub3A_289 : vector<16xi32> to vector<1x16xi32>
    tpu.vector_store %arg5[%swap3A_291, %swap3A_292], %swap3A_295 {strides = array<i32>} : memref<8x64xi32, #tpu.memory_space<vmem>>, vector<1x16xi32>,
    %sub3A_296 = arith.constant 48 : i32
    %sub3A_297 = arith.subi %sub3A_265, %sub3A_296 : i32
    %sub3A_298 = vector.broadcast %sub3A_297 : i32 to vector<16xi32>
    %sub3A_299 = arith.subi %sub3A_298, %iota3A : vector<16xi32>
    %swap3A_300 = arith.constant 5 : i32
    %swap3A_301 = arith.index_cast %swap3A_300 : i32 to index
    %swap3A_302 = arith.constant 48 : index
    %swap3A_303 = tpu.vector_load %arg5[%swap3A_301, %swap3A_302] {strides = array<i32>} : memref<8x64xi32, #tpu.memory_space<vmem>>, vector<1x16xi32>,
    %swap3A_304 = vector.shape_cast %swap3A_303 : vector<1x16xi32> to vector<16xi32>
    %swap3A_305 = vector.shape_cast %sub3A_299 : vector<16xi32> to vector<1x16xi32>
    tpu.vector_store %arg5[%swap3A_301, %swap3A_302], %swap3A_305 {strides = array<i32>} : memref<8x64xi32, #tpu.memory_space<vmem>>, vector<1x16xi32>,
    %mul3A_306 = arith.constant 128 : i32
    %mul3A_307 = arith.muli %add3A, %mul3A_306 : i32
    %add3A_308 = arith.constant 64 : i32
    %add3A_309 = arith.addi %mul3A_307, %add3A_308 : i32
    %sub3A_310 = arith.constant 20480 : i32
    %sub3A_311 = arith.subi %sub3A_310, %add3A_309 : i32
    %sub3A_312 = arith.constant 0 : i32
    %sub3A_313 = arith.subi %sub3A_311, %sub3A_312 : i32
    %sub3A_314 = vector.broadcast %sub3A_313 : i32 to vector<16xi32>
    %sub3A_315 = arith.subi %sub3A_314, %iota3A : vector<16xi32>
    %swap3A_316 = arith.constant 6 : i32
    %swap3A_317 = arith.index_cast %swap3A_316 : i32 to index
    %swap3A_318 = arith.constant 0 : index
    %swap3A_319 = tpu.vector_load %arg5[%swap3A_317, %swap3A_318] {strides = array<i32>} : memref<8x64xi32, #tpu.memory_space<vmem>>, vector<1x16xi32>,
    %swap3A_320 = vector.shape_cast %swap3A_319 : vector<1x16xi32> to vector<16xi32>
    %swap3A_321 = vector.shape_cast %sub3A_315 : vector<16xi32> to vector<1x16xi32>
    tpu.vector_store %arg5[%swap3A_317, %swap3A_318], %swap3A_321 {strides = array<i32>} : memref<8x64xi32, #tpu.memory_space<vmem>>, vector<1x16xi32>,
    %sub3A_322 = arith.constant 16 : i32
    %sub3A_323 = arith.subi %sub3A_311, %sub3A_322 : i32
    %sub3A_324 = vector.broadcast %sub3A_323 : i32 to vector<16xi32>
    %sub3A_325 = arith.subi %sub3A_324, %iota3A : vector<16xi32>
    %swap3A_326 = arith.constant 6 : i32
    %swap3A_327 = arith.index_cast %swap3A_326 : i32 to index
    %swap3A_328 = arith.constant 16 : index
    %swap3A_329 = tpu.vector_load %arg5[%swap3A_327, %swap3A_328] {strides = array<i32>} : memref<8x64xi32, #tpu.memory_space<vmem>>, vector<1x16xi32>,
    %swap3A_330 = vector.shape_cast %swap3A_329 : vector<1x16xi32> to vector<16xi32>
    %swap3A_331 = vector.shape_cast %sub3A_325 : vector<16xi32> to vector<1x16xi32>
    tpu.vector_store %arg5[%swap3A_327, %swap3A_328], %swap3A_331 {strides = array<i32>} : memref<8x64xi32, #tpu.memory_space<vmem>>, vector<1x16xi32>,
    %sub3A_332 = arith.constant 32 : i32
    %sub3A_333 = arith.subi %sub3A_311, %sub3A_332 : i32
    %sub3A_334 = vector.broadcast %sub3A_333 : i32 to vector<16xi32>
    %sub3A_335 = arith.subi %sub3A_334, %iota3A : vector<16xi32>
    %swap3A_336 = arith.constant 6 : i32
    %swap3A_337 = arith.index_cast %swap3A_336 : i32 to index
    %swap3A_338 = arith.constant 32 : index
    %swap3A_339 = tpu.vector_load %arg5[%swap3A_337, %swap3A_338] {strides = array<i32>} : memref<8x64xi32, #tpu.memory_space<vmem>>, vector<1x16xi32>,
    %swap3A_340 = vector.shape_cast %swap3A_339 : vector<1x16xi32> to vector<16xi32>
    %swap3A_341 = vector.shape_cast %sub3A_335 : vector<16xi32> to vector<1x16xi32>
    tpu.vector_store %arg5[%swap3A_337, %swap3A_338], %swap3A_341 {strides = array<i32>} : memref<8x64xi32, #tpu.memory_space<vmem>>, vector<1x16xi32>,
    %sub3A_342 = arith.constant 48 : i32
    %sub3A_343 = arith.subi %sub3A_311, %sub3A_342 : i32
    %sub3A_344 = vector.broadcast %sub3A_343 : i32 to vector<16xi32>
    %sub3A_345 = arith.subi %sub3A_344, %iota3A : vector<16xi32>
    %swap3A_346 = arith.constant 6 : i32
    %swap3A_347 = arith.index_cast %swap3A_346 : i32 to index
    %swap3A_348 = arith.constant 48 : index
    %swap3A_349 = tpu.vector_load %arg5[%swap3A_347, %swap3A_348] {strides = array<i32>} : memref<8x64xi32, #tpu.memory_space<vmem>>, vector<1x16xi32>,
    %swap3A_350 = vector.shape_cast %swap3A_349 : vector<1x16xi32> to vector<16xi32>
    %swap3A_351 = vector.shape_cast %sub3A_345 : vector<16xi32> to vector<1x16xi32>
    tpu.vector_store %arg5[%swap3A_347, %swap3A_348], %swap3A_351 {strides = array<i32>} : memref<8x64xi32, #tpu.memory_space<vmem>>, vector<1x16xi32>,
    %mul3A_352 = arith.constant 128 : i32
    %mul3A_353 = arith.muli %add3A, %mul3A_352 : i32
    %add3A_354 = arith.constant 64 : i32
    %add3A_355 = arith.addi %mul3A_353, %add3A_354 : i32
    %sub3A_356 = arith.constant 28672 : i32
    %sub3A_357 = arith.subi %sub3A_356, %add3A_355 : i32
    %sub3A_358 = arith.constant 0 : i32
    %sub3A_359 = arith.subi %sub3A_357, %sub3A_358 : i32
    %sub3A_360 = vector.broadcast %sub3A_359 : i32 to vector<16xi32>
    %sub3A_361 = arith.subi %sub3A_360, %iota3A : vector<16xi32>
    %swap3A_362 = arith.constant 7 : i32
    %swap3A_363 = arith.index_cast %swap3A_362 : i32 to index
    %swap3A_364 = arith.constant 0 : index
    %swap3A_365 = tpu.vector_load %arg5[%swap3A_363, %swap3A_364] {strides = array<i32>} : memref<8x64xi32, #tpu.memory_space<vmem>>, vector<1x16xi32>,
    %swap3A_366 = vector.shape_cast %swap3A_365 : vector<1x16xi32> to vector<16xi32>
    %swap3A_367 = vector.shape_cast %sub3A_361 : vector<16xi32> to vector<1x16xi32>
    tpu.vector_store %arg5[%swap3A_363, %swap3A_364], %swap3A_367 {strides = array<i32>} : memref<8x64xi32, #tpu.memory_space<vmem>>, vector<1x16xi32>,
    %sub3A_368 = arith.constant 16 : i32
    %sub3A_369 = arith.subi %sub3A_357, %sub3A_368 : i32
    %sub3A_370 = vector.broadcast %sub3A_369 : i32 to vector<16xi32>
    %sub3A_371 = arith.subi %sub3A_370, %iota3A : vector<16xi32>
    %swap3A_372 = arith.constant 7 : i32
    %swap3A_373 = arith.index_cast %swap3A_372 : i32 to index
    %swap3A_374 = arith.constant 16 : index
    %swap3A_375 = tpu.vector_load %arg5[%swap3A_373, %swap3A_374] {strides = array<i32>} : memref<8x64xi32, #tpu.memory_space<vmem>>, vector<1x16xi32>,
    %swap3A_376 = vector.shape_cast %swap3A_375 : vector<1x16xi32> to vector<16xi32>
    %swap3A_377 = vector.shape_cast %sub3A_371 : vector<16xi32> to vector<1x16xi32>
    tpu.vector_store %arg5[%swap3A_373, %swap3A_374], %swap3A_377 {strides = array<i32>} : memref<8x64xi32, #tpu.memory_space<vmem>>, vector<1x16xi32>,
    %sub3A_378 = arith.constant 32 : i32
    %sub3A_379 = arith.subi %sub3A_357, %sub3A_378 : i32
    %sub3A_380 = vector.broadcast %sub3A_379 : i32 to vector<16xi32>
    %sub3A_381 = arith.subi %sub3A_380, %iota3A : vector<16xi32>
    %swap3A_382 = arith.constant 7 : i32
    %swap3A_383 = arith.index_cast %swap3A_382 : i32 to index
    %swap3A_384 = arith.constant 32 : index
    %swap3A_385 = tpu.vector_load %arg5[%swap3A_383, %swap3A_384] {strides = array<i32>} : memref<8x64xi32, #tpu.memory_space<vmem>>, vector<1x16xi32>,
    %swap3A_386 = vector.shape_cast %swap3A_385 : vector<1x16xi32> to vector<16xi32>
    %swap3A_387 = vector.shape_cast %sub3A_381 : vector<16xi32> to vector<1x16xi32>
    tpu.vector_store %arg5[%swap3A_383, %swap3A_384], %swap3A_387 {strides = array<i32>} : memref<8x64xi32, #tpu.memory_space<vmem>>, vector<1x16xi32>,
    %sub3A_388 = arith.constant 48 : i32
    %sub3A_389 = arith.subi %sub3A_357, %sub3A_388 : i32
    %sub3A_390 = vector.broadcast %sub3A_389 : i32 to vector<16xi32>
    %sub3A_391 = arith.subi %sub3A_390, %iota3A : vector<16xi32>
    %swap3A_392 = arith.constant 7 : i32
    %swap3A_393 = arith.index_cast %swap3A_392 : i32 to index
    %swap3A_394 = arith.constant 48 : index
    %swap3A_395 = tpu.vector_load %arg5[%swap3A_393, %swap3A_394] {strides = array<i32>} : memref<8x64xi32, #tpu.memory_space<vmem>>, vector<1x16xi32>,
    %swap3A_396 = vector.shape_cast %swap3A_395 : vector<1x16xi32> to vector<16xi32>
    %swap3A_397 = vector.shape_cast %sub3A_391 : vector<16xi32> to vector<1x16xi32>
    tpu.vector_store %arg5[%swap3A_393, %swap3A_394], %swap3A_397 {strides = array<i32>} : memref<8x64xi32, #tpu.memory_space<vmem>>, vector<1x16xi32>,
    %dma_wait3A = arith.constant 0 : i32
    %dma_wait3A_398 = arith.constant 0 : i32
    %dma_wait3A_399 = arith.constant 0 : i32
    %dma_wait3A_400 = tpu.memref_slice %arg4[%dma_wait3A, %dma_wait3A_398, %dma_wait3A_399] : memref<2x64x768xf32, #tpu.memory_space<vmem>> -> memref<1x64x768xf32, #tpu.memory_space<vmem>>
    %dma_wait3A_401 = tpu.memref_squeeze %dma_wait3A_400 : memref<1x64x768xf32, #tpu.memory_space<vmem>> -> memref<64x768xf32, #tpu.memory_space<vmem>>
    %dma_wait3A_402 = arith.constant 0 : i32
    %dma_wait3A_403 = tpu.memref_slice %arg2[%mul3A_2, %dma_wait3A_402] : memref<8192x768xf32, #tpu.memory_space<hbm>> -> memref<64x768xf32, #tpu.memory_space<hbm>>
    %dma_wait3A_404 = arith.constant 0 : i32
    %dma_wait3A_405 = arith.constant 0 : i32
    %dma_wait3A_406 = tpu.memref_slice %arg4[%dma_wait3A, %dma_wait3A_404, %dma_wait3A_405] : memref<2x64x768xf32, #tpu.memory_space<vmem>> -> memref<1x64x768xf32, #tpu.memory_space<vmem>>
    %dma_wait3A_407 = tpu.memref_squeeze %dma_wait3A_406 : memref<1x64x768xf32, #tpu.memory_space<vmem>> -> memref<64x768xf32, #tpu.memory_space<vmem>>
    %dma_wait3A_408 = arith.constant 0 : i32
    %dma_wait3A_409 = tpu.memref_slice %arg2[%mul3A_2, %dma_wait3A_408] : memref<8192x768xf32, #tpu.memory_space<hbm>> -> memref<64x768xf32, #tpu.memory_space<hbm>>
    tpu.wait_dma2 semaphore(%arg7 : memref<!tpu.dma_semaphore, #tpu.memory_space<semaphore_mem>>) src(%dma_wait3A_409 : memref<64x768xf32, #tpu.memory_space<hbm>>) dst(%dma_wait3A_407 : memref<64x768xf32, #tpu.memory_space<vmem>>)
    %mul3A_410 = arith.constant 128 : i32
    %mul3A_411 = arith.muli %add3A, %mul3A_410 : i32
    %add3A_412 = arith.constant 0 : i32
    %add3A_413 = arith.addi %mul3A_411, %add3A_412 : i32
    %add3A_414 = arith.constant 4096 : i32
    %add3A_415 = arith.addi %add3A_414, %add3A_413 : i32
    %dma_start3A_416 = arith.constant 0 : i32
    %dma_start3A_417 = arith.constant 0 : i32
    %dma_start3A_418 = arith.constant 0 : i32
    %dma_start3A_419 = tpu.memref_slice %arg4[%dma_start3A_416, %dma_start3A_417, %dma_start3A_418] : memref<2x64x768xf32, #tpu.memory_space<vmem>> -> memref<1x64x768xf32, #tpu.memory_space<vmem>>
    %dma_start3A_420 = tpu.memref_squeeze %dma_start3A_419 : memref<1x64x768xf32, #tpu.memory_space<vmem>> -> memref<64x768xf32, #tpu.memory_space<vmem>>
    %dma_start3A_421 = arith.constant 0 : i32
    %dma_start3A_422 = tpu.memref_slice %arg3[%add3A_415, %dma_start3A_421] : memref<32768x768xf32, #tpu.memory_space<hbm>> -> memref<64x768xf32, #tpu.memory_space<hbm>>
    %dma_start3A_423 = arith.constant 0 : i32
    %dma_start3A_424 = tpu.memref_slice %arg3[%add3A_415, %dma_start3A_423] : memref<32768x768xf32, #tpu.memory_space<hbm>> -> memref<64x768xf32, #tpu.memory_space<hbm>>
    %dma_start3A_425 = arith.constant 0 : i32
    %dma_start3A_426 = arith.constant 0 : i32
    %dma_start3A_427 = tpu.memref_slice %arg4[%dma_start3A_416, %dma_start3A_425, %dma_start3A_426] : memref<2x64x768xf32, #tpu.memory_space<vmem>> -> memref<1x64x768xf32, #tpu.memory_space<vmem>>
    %dma_start3A_428 = tpu.memref_squeeze %dma_start3A_427 : memref<1x64x768xf32, #tpu.memory_space<vmem>> -> memref<64x768xf32, #tpu.memory_space<vmem>>
    tpu.enqueue_dma source(%dma_start3A_428 : memref<64x768xf32, #tpu.memory_space<vmem>>) target(%dma_start3A_424 : memref<64x768xf32, #tpu.memory_space<hbm>>) target_semaphore(%arg8 : memref<!tpu.dma_semaphore, #tpu.memory_space<semaphore_mem>>)
    %dma_start3A_429 = arith.constant 0 : i32
    %dma_start3A_430 = arith.constant 0 : i32
    %dma_start3A_431 = arith.constant 0 : i32
    %dma_start3A_432 = arith.constant 0 : i32
    %dma_start3A_433 = tpu.memref_slice %arg4[%dma_start3A_429, %dma_start3A_431, %dma_start3A_432] : memref<2x64x768xf32, #tpu.memory_space<vmem>> -> memref<1x64x768xf32, #tpu.memory_space<vmem>>
    %dma_start3A_434 = tpu.memref_squeeze %dma_start3A_433 : memref<1x64x768xf32, #tpu.memory_space<vmem>> -> memref<64x768xf32, #tpu.memory_space<vmem>>
    %dma_start3A_435 = arith.constant 0 : i32
    %dma_start3A_436 = tpu.memref_slice %arg5[%dma_start3A_430, %dma_start3A_435] : memref<8x64xi32, #tpu.memory_space<vmem>> -> memref<1x64xi32, #tpu.memory_space<vmem>>
    %dma_start3A_437 = tpu.memref_squeeze %dma_start3A_436 : memref<1x64xi32, #tpu.memory_space<vmem>> -> memref<64xi32, #tpu.memory_space<vmem>>
    %dma_start3A_438 = arith.constant 0 : i32
    %dma_start3A_439 = arith.constant 0 : i32
    %dma_start3A_440 = tpu.memref_slice %arg3[%dma_start3A_438, %dma_start3A_439] : memref<32768x768xf32, #tpu.memory_space<hbm>> -> memref<32768x768xf32, #tpu.memory_space<hbm>>
    tpu.enqueue_indirect_dma source(%dma_start3A_434 : memref<64x768xf32, #tpu.memory_space<vmem>>) target(%dma_start3A_440 : memref<32768x768xf32, #tpu.memory_space<hbm>>) offsets(%dma_start3A_437 : memref<64xi32, #tpu.memory_space<vmem>>) semaphore(%arg8 : memref<!tpu.dma_semaphore, #tpu.memory_space<semaphore_mem>>)
    %add3A_441 = arith.constant 12288 : i32
    %add3A_442 = arith.addi %add3A_441, %add3A_413 : i32
    %dma_start3A_443 = arith.constant 0 : i32
    %dma_start3A_444 = arith.constant 0 : i32
    %dma_start3A_445 = arith.constant 0 : i32
    %dma_start3A_446 = tpu.memref_slice %arg4[%dma_start3A_443, %dma_start3A_444, %dma_start3A_445] : memref<2x64x768xf32, #tpu.memory_space<vmem>> -> memref<1x64x768xf32, #tpu.memory_space<vmem>>
    %dma_start3A_447 = tpu.memref_squeeze %dma_start3A_446 : memref<1x64x768xf32, #tpu.memory_space<vmem>> -> memref<64x768xf32, #tpu.memory_space<vmem>>
    %dma_start3A_448 = arith.constant 0 : i32
    %dma_start3A_449 = tpu.memref_slice %arg3[%add3A_442, %dma_start3A_448] : memref<32768x768xf32, #tpu.memory_space<hbm>> -> memref<64x768xf32, #tpu.memory_space<hbm>>
    %dma_start3A_450 = arith.constant 0 : i32
    %dma_start3A_451 = tpu.memref_slice %arg3[%add3A_442, %dma_start3A_450] : memref<32768x768xf32, #tpu.memory_space<hbm>> -> memref<64x768xf32, #tpu.memory_space<hbm>>
    %dma_start3A_452 = arith.constant 0 : i32
    %dma_start3A_453 = arith.constant 0 : i32
    %dma_start3A_454 = tpu.memref_slice %arg4[%dma_start3A_443, %dma_start3A_452, %dma_start3A_453] : memref<2x64x768xf32, #tpu.memory_space<vmem>> -> memref<1x64x768xf32, #tpu.memory_space<vmem>>
    %dma_start3A_455 = tpu.memref_squeeze %dma_start3A_454 : memref<1x64x768xf32, #tpu.memory_space<vmem>> -> memref<64x768xf32, #tpu.memory_space<vmem>>
    tpu.enqueue_dma source(%dma_start3A_455 : memref<64x768xf32, #tpu.memory_space<vmem>>) target(%dma_start3A_451 : memref<64x768xf32, #tpu.memory_space<hbm>>) target_semaphore(%arg8 : memref<!tpu.dma_semaphore, #tpu.memory_space<semaphore_mem>>)
    %dma_start3A_456 = arith.constant 0 : i32
    %dma_start3A_457 = arith.constant 1 : i32
    %dma_start3A_458 = arith.constant 0 : i32
    %dma_start3A_459 = arith.constant 0 : i32
    %dma_start3A_460 = tpu.memref_slice %arg4[%dma_start3A_456, %dma_start3A_458, %dma_start3A_459] : memref<2x64x768xf32, #tpu.memory_space<vmem>> -> memref<1x64x768xf32, #tpu.memory_space<vmem>>
    %dma_start3A_461 = tpu.memref_squeeze %dma_start3A_460 : memref<1x64x768xf32, #tpu.memory_space<vmem>> -> memref<64x768xf32, #tpu.memory_space<vmem>>
    %dma_start3A_462 = arith.constant 0 : i32
    %dma_start3A_463 = tpu.memref_slice %arg5[%dma_start3A_457, %dma_start3A_462] : memref<8x64xi32, #tpu.memory_space<vmem>> -> memref<1x64xi32, #tpu.memory_space<vmem>>
    %dma_start3A_464 = tpu.memref_squeeze %dma_start3A_463 : memref<1x64xi32, #tpu.memory_space<vmem>> -> memref<64xi32, #tpu.memory_space<vmem>>
    %dma_start3A_465 = arith.constant 0 : i32
    %dma_start3A_466 = arith.constant 0 : i32
    %dma_start3A_467 = tpu.memref_slice %arg3[%dma_start3A_465, %dma_start3A_466] : memref<32768x768xf32, #tpu.memory_space<hbm>> -> memref<32768x768xf32, #tpu.memory_space<hbm>>
    tpu.enqueue_indirect_dma source(%dma_start3A_461 : memref<64x768xf32, #tpu.memory_space<vmem>>) target(%dma_start3A_467 : memref<32768x768xf32, #tpu.memory_space<hbm>>) offsets(%dma_start3A_464 : memref<64xi32, #tpu.memory_space<vmem>>) semaphore(%arg8 : memref<!tpu.dma_semaphore, #tpu.memory_space<semaphore_mem>>)
    %add3A_468 = arith.constant 20480 : i32
    %add3A_469 = arith.addi %add3A_468, %add3A_413 : i32
    %dma_start3A_470 = arith.constant 0 : i32
    %dma_start3A_471 = arith.constant 0 : i32
    %dma_start3A_472 = arith.constant 0 : i32
    %dma_start3A_473 = tpu.memref_slice %arg4[%dma_start3A_470, %dma_start3A_471, %dma_start3A_472] : memref<2x64x768xf32, #tpu.memory_space<vmem>> -> memref<1x64x768xf32, #tpu.memory_space<vmem>>
    %dma_start3A_474 = tpu.memref_squeeze %dma_start3A_473 : memref<1x64x768xf32, #tpu.memory_space<vmem>> -> memref<64x768xf32, #tpu.memory_space<vmem>>
    %dma_start3A_475 = arith.constant 0 : i32
    %dma_start3A_476 = tpu.memref_slice %arg3[%add3A_469, %dma_start3A_475] : memref<32768x768xf32, #tpu.memory_space<hbm>> -> memref<64x768xf32, #tpu.memory_space<hbm>>
    %dma_start3A_477 = arith.constant 0 : i32
    %dma_start3A_478 = tpu.memref_slice %arg3[%add3A_469, %dma_start3A_477] : memref<32768x768xf32, #tpu.memory_space<hbm>> -> memref<64x768xf32, #tpu.memory_space<hbm>>
    %dma_start3A_479 = arith.constant 0 : i32
    %dma_start3A_480 = arith.constant 0 : i32
    %dma_start3A_481 = tpu.memref_slice %arg4[%dma_start3A_470, %dma_start3A_479, %dma_start3A_480] : memref<2x64x768xf32, #tpu.memory_space<vmem>> -> memref<1x64x768xf32, #tpu.memory_space<vmem>>
    %dma_start3A_482 = tpu.memref_squeeze %dma_start3A_481 : memref<1x64x768xf32, #tpu.memory_space<vmem>> -> memref<64x768xf32, #tpu.memory_space<vmem>>
    tpu.enqueue_dma source(%dma_start3A_482 : memref<64x768xf32, #tpu.memory_space<vmem>>) target(%dma_start3A_478 : memref<64x768xf32, #tpu.memory_space<hbm>>) target_semaphore(%arg8 : memref<!tpu.dma_semaphore, #tpu.memory_space<semaphore_mem>>)
    %dma_start3A_483 = arith.constant 0 : i32
    %dma_start3A_484 = arith.constant 2 : i32
    %dma_start3A_485 = arith.constant 0 : i32
    %dma_start3A_486 = arith.constant 0 : i32
    %dma_start3A_487 = tpu.memref_slice %arg4[%dma_start3A_483, %dma_start3A_485, %dma_start3A_486] : memref<2x64x768xf32, #tpu.memory_space<vmem>> -> memref<1x64x768xf32, #tpu.memory_space<vmem>>
    %dma_start3A_488 = tpu.memref_squeeze %dma_start3A_487 : memref<1x64x768xf32, #tpu.memory_space<vmem>> -> memref<64x768xf32, #tpu.memory_space<vmem>>
    %dma_start3A_489 = arith.constant 0 : i32
    %dma_start3A_490 = tpu.memref_slice %arg5[%dma_start3A_484, %dma_start3A_489] : memref<8x64xi32, #tpu.memory_space<vmem>> -> memref<1x64xi32, #tpu.memory_space<vmem>>
    %dma_start3A_491 = tpu.memref_squeeze %dma_start3A_490 : memref<1x64xi32, #tpu.memory_space<vmem>> -> memref<64xi32, #tpu.memory_space<vmem>>
    %dma_start3A_492 = arith.constant 0 : i32
    %dma_start3A_493 = arith.constant 0 : i32
    %dma_start3A_494 = tpu.memref_slice %arg3[%dma_start3A_492, %dma_start3A_493] : memref<32768x768xf32, #tpu.memory_space<hbm>> -> memref<32768x768xf32, #tpu.memory_space<hbm>>
    tpu.enqueue_indirect_dma source(%dma_start3A_488 : memref<64x768xf32, #tpu.memory_space<vmem>>) target(%dma_start3A_494 : memref<32768x768xf32, #tpu.memory_space<hbm>>) offsets(%dma_start3A_491 : memref<64xi32, #tpu.memory_space<vmem>>) semaphore(%arg8 : memref<!tpu.dma_semaphore, #tpu.memory_space<semaphore_mem>>)
    %add3A_495 = arith.constant 28672 : i32
    %add3A_496 = arith.addi %add3A_495, %add3A_413 : i32
    %dma_start3A_497 = arith.constant 0 : i32
    %dma_start3A_498 = arith.constant 0 : i32
    %dma_start3A_499 = arith.constant 0 : i32
    %dma_start3A_500 = tpu.memref_slice %arg4[%dma_start3A_497, %dma_start3A_498, %dma_start3A_499] : memref<2x64x768xf32, #tpu.memory_space<vmem>> -> memref<1x64x768xf32, #tpu.memory_space<vmem>>
    %dma_start3A_501 = tpu.memref_squeeze %dma_start3A_500 : memref<1x64x768xf32, #tpu.memory_space<vmem>> -> memref<64x768xf32, #tpu.memory_space<vmem>>
    %dma_start3A_502 = arith.constant 0 : i32
    %dma_start3A_503 = tpu.memref_slice %arg3[%add3A_496, %dma_start3A_502] : memref<32768x768xf32, #tpu.memory_space<hbm>> -> memref<64x768xf32, #tpu.memory_space<hbm>>
    %dma_start3A_504 = arith.constant 0 : i32
    %dma_start3A_505 = tpu.memref_slice %arg3[%add3A_496, %dma_start3A_504] : memref<32768x768xf32, #tpu.memory_space<hbm>> -> memref<64x768xf32, #tpu.memory_space<hbm>>
    %dma_start3A_506 = arith.constant 0 : i32
    %dma_start3A_507 = arith.constant 0 : i32
    %dma_start3A_508 = tpu.memref_slice %arg4[%dma_start3A_497, %dma_start3A_506, %dma_start3A_507] : memref<2x64x768xf32, #tpu.memory_space<vmem>> -> memref<1x64x768xf32, #tpu.memory_space<vmem>>
    %dma_start3A_509 = tpu.memref_squeeze %dma_start3A_508 : memref<1x64x768xf32, #tpu.memory_space<vmem>> -> memref<64x768xf32, #tpu.memory_space<vmem>>
    tpu.enqueue_dma source(%dma_start3A_509 : memref<64x768xf32, #tpu.memory_space<vmem>>) target(%dma_start3A_505 : memref<64x768xf32, #tpu.memory_space<hbm>>) target_semaphore(%arg8 : memref<!tpu.dma_semaphore, #tpu.memory_space<semaphore_mem>>)
    %dma_start3A_510 = arith.constant 0 : i32
    %dma_start3A_511 = arith.constant 3 : i32
    %dma_start3A_512 = arith.constant 0 : i32
    %dma_start3A_513 = arith.constant 0 : i32
    %dma_start3A_514 = tpu.memref_slice %arg4[%dma_start3A_510, %dma_start3A_512, %dma_start3A_513] : memref<2x64x768xf32, #tpu.memory_space<vmem>> -> memref<1x64x768xf32, #tpu.memory_space<vmem>>
    %dma_start3A_515 = tpu.memref_squeeze %dma_start3A_514 : memref<1x64x768xf32, #tpu.memory_space<vmem>> -> memref<64x768xf32, #tpu.memory_space<vmem>>
    %dma_start3A_516 = arith.constant 0 : i32
    %dma_start3A_517 = tpu.memref_slice %arg5[%dma_start3A_511, %dma_start3A_516] : memref<8x64xi32, #tpu.memory_space<vmem>> -> memref<1x64xi32, #tpu.memory_space<vmem>>
    %dma_start3A_518 = tpu.memref_squeeze %dma_start3A_517 : memref<1x64xi32, #tpu.memory_space<vmem>> -> memref<64xi32, #tpu.memory_space<vmem>>
    %dma_start3A_519 = arith.constant 0 : i32
    %dma_start3A_520 = arith.constant 0 : i32
    %dma_start3A_521 = tpu.memref_slice %arg3[%dma_start3A_519, %dma_start3A_520] : memref<32768x768xf32, #tpu.memory_space<hbm>> -> memref<32768x768xf32, #tpu.memory_space<hbm>>
    tpu.enqueue_indirect_dma source(%dma_start3A_515 : memref<64x768xf32, #tpu.memory_space<vmem>>) target(%dma_start3A_521 : memref<32768x768xf32, #tpu.memory_space<hbm>>) offsets(%dma_start3A_518 : memref<64xi32, #tpu.memory_space<vmem>>) semaphore(%arg8 : memref<!tpu.dma_semaphore, #tpu.memory_space<semaphore_mem>>)
    %dma_wait3A_522 = arith.constant 1 : i32
    %dma_wait3A_523 = arith.constant 0 : i32
    %dma_wait3A_524 = arith.constant 0 : i32
    %dma_wait3A_525 = tpu.memref_slice %arg4[%dma_wait3A_522, %dma_wait3A_523, %dma_wait3A_524] : memref<2x64x768xf32, #tpu.memory_space<vmem>> -> memref<1x64x768xf32, #tpu.memory_space<vmem>>
    %dma_wait3A_526 = tpu.memref_squeeze %dma_wait3A_525 : memref<1x64x768xf32, #tpu.memory_space<vmem>> -> memref<64x768xf32, #tpu.memory_space<vmem>>
    %dma_wait3A_527 = arith.constant 0 : i32
    %dma_wait3A_528 = tpu.memref_slice %arg2[%add3A_18, %dma_wait3A_527] : memref<8192x768xf32, #tpu.memory_space<hbm>> -> memref<64x768xf32, #tpu.memory_space<hbm>>
    %dma_wait3A_529 = arith.constant 0 : i32
    %dma_wait3A_530 = arith.constant 0 : i32
    %dma_wait3A_531 = tpu.memref_slice %arg4[%dma_wait3A_522, %dma_wait3A_529, %dma_wait3A_530] : memref<2x64x768xf32, #tpu.memory_space<vmem>> -> memref<1x64x768xf32, #tpu.memory_space<vmem>>
    %dma_wait3A_532 = tpu.memref_squeeze %dma_wait3A_531 : memref<1x64x768xf32, #tpu.memory_space<vmem>> -> memref<64x768xf32, #tpu.memory_space<vmem>>
    %dma_wait3A_533 = arith.constant 0 : i32
    %dma_wait3A_534 = tpu.memref_slice %arg2[%add3A_18, %dma_wait3A_533] : memref<8192x768xf32, #tpu.memory_space<hbm>> -> memref<64x768xf32, #tpu.memory_space<hbm>>
    tpu.wait_dma2 semaphore(%arg7 : memref<!tpu.dma_semaphore, #tpu.memory_space<semaphore_mem>>) src(%dma_wait3A_534 : memref<64x768xf32, #tpu.memory_space<hbm>>) dst(%dma_wait3A_532 : memref<64x768xf32, #tpu.memory_space<vmem>>)
    %mul3A_535 = arith.constant 128 : i32
    %mul3A_536 = arith.muli %add3A, %mul3A_535 : i32
    %add3A_537 = arith.constant 64 : i32
    %add3A_538 = arith.addi %mul3A_536, %add3A_537 : i32
    %add3A_539 = arith.constant 4096 : i32
    %add3A_540 = arith.addi %add3A_539, %add3A_538 : i32
    %dma_start3A_541 = arith.constant 1 : i32
    %dma_start3A_542 = arith.constant 0 : i32
    %dma_start3A_543 = arith.constant 0 : i32
    %dma_start3A_544 = tpu.memref_slice %arg4[%dma_start3A_541, %dma_start3A_542, %dma_start3A_543] : memref<2x64x768xf32, #tpu.memory_space<vmem>> -> memref<1x64x768xf32, #tpu.memory_space<vmem>>
    %dma_start3A_545 = tpu.memref_squeeze %dma_start3A_544 : memref<1x64x768xf32, #tpu.memory_space<vmem>> -> memref<64x768xf32, #tpu.memory_space<vmem>>
    %dma_start3A_546 = arith.constant 0 : i32
    %dma_start3A_547 = tpu.memref_slice %arg3[%add3A_540, %dma_start3A_546] : memref<32768x768xf32, #tpu.memory_space<hbm>> -> memref<64x768xf32, #tpu.memory_space<hbm>>
    %dma_start3A_548 = arith.constant 0 : i32
    %dma_start3A_549 = tpu.memref_slice %arg3[%add3A_540, %dma_start3A_548] : memref<32768x768xf32, #tpu.memory_space<hbm>> -> memref<64x768xf32, #tpu.memory_space<hbm>>
    %dma_start3A_550 = arith.constant 0 : i32
    %dma_start3A_551 = arith.constant 0 : i32
    %dma_start3A_552 = tpu.memref_slice %arg4[%dma_start3A_541, %dma_start3A_550, %dma_start3A_551] : memref<2x64x768xf32, #tpu.memory_space<vmem>> -> memref<1x64x768xf32, #tpu.memory_space<vmem>>
    %dma_start3A_553 = tpu.memref_squeeze %dma_start3A_552 : memref<1x64x768xf32, #tpu.memory_space<vmem>> -> memref<64x768xf32, #tpu.memory_space<vmem>>
    tpu.enqueue_dma source(%dma_start3A_553 : memref<64x768xf32, #tpu.memory_space<vmem>>) target(%dma_start3A_549 : memref<64x768xf32, #tpu.memory_space<hbm>>) target_semaphore(%arg8 : memref<!tpu.dma_semaphore, #tpu.memory_space<semaphore_mem>>)
    %dma_start3A_554 = arith.constant 1 : i32
    %dma_start3A_555 = arith.constant 4 : i32
    %dma_start3A_556 = arith.constant 0 : i32
    %dma_start3A_557 = arith.constant 0 : i32
    %dma_start3A_558 = tpu.memref_slice %arg4[%dma_start3A_554, %dma_start3A_556, %dma_start3A_557] : memref<2x64x768xf32, #tpu.memory_space<vmem>> -> memref<1x64x768xf32, #tpu.memory_space<vmem>>
    %dma_start3A_559 = tpu.memref_squeeze %dma_start3A_558 : memref<1x64x768xf32, #tpu.memory_space<vmem>> -> memref<64x768xf32, #tpu.memory_space<vmem>>
    %dma_start3A_560 = arith.constant 0 : i32
    %dma_start3A_561 = tpu.memref_slice %arg5[%dma_start3A_555, %dma_start3A_560] : memref<8x64xi32, #tpu.memory_space<vmem>> -> memref<1x64xi32, #tpu.memory_space<vmem>>
    %dma_start3A_562 = tpu.memref_squeeze %dma_start3A_561 : memref<1x64xi32, #tpu.memory_space<vmem>> -> memref<64xi32, #tpu.memory_space<vmem>>
    %dma_start3A_563 = arith.constant 0 : i32
    %dma_start3A_564 = arith.constant 0 : i32
    %dma_start3A_565 = tpu.memref_slice %arg3[%dma_start3A_563, %dma_start3A_564] : memref<32768x768xf32, #tpu.memory_space<hbm>> -> memref<32768x768xf32, #tpu.memory_space<hbm>>
    tpu.enqueue_indirect_dma source(%dma_start3A_559 : memref<64x768xf32, #tpu.memory_space<vmem>>) target(%dma_start3A_565 : memref<32768x768xf32, #tpu.memory_space<hbm>>) offsets(%dma_start3A_562 : memref<64xi32, #tpu.memory_space<vmem>>) semaphore(%arg8 : memref<!tpu.dma_semaphore, #tpu.memory_space<semaphore_mem>>)
    %add3A_566 = arith.constant 12288 : i32
    %add3A_567 = arith.addi %add3A_566, %add3A_538 : i32
    %dma_start3A_568 = arith.constant 1 : i32
    %dma_start3A_569 = arith.constant 0 : i32
    %dma_start3A_570 = arith.constant 0 : i32
    %dma_start3A_571 = tpu.memref_slice %arg4[%dma_start3A_568, %dma_start3A_569, %dma_start3A_570] : memref<2x64x768xf32, #tpu.memory_space<vmem>> -> memref<1x64x768xf32, #tpu.memory_space<vmem>>
    %dma_start3A_572 = tpu.memref_squeeze %dma_start3A_571 : memref<1x64x768xf32, #tpu.memory_space<vmem>> -> memref<64x768xf32, #tpu.memory_space<vmem>>
    %dma_start3A_573 = arith.constant 0 : i32
    %dma_start3A_574 = tpu.memref_slice %arg3[%add3A_567, %dma_start3A_573] : memref<32768x768xf32, #tpu.memory_space<hbm>> -> memref<64x768xf32, #tpu.memory_space<hbm>>
    %dma_start3A_575 = arith.constant 0 : i32
    %dma_start3A_576 = tpu.memref_slice %arg3[%add3A_567, %dma_start3A_575] : memref<32768x768xf32, #tpu.memory_space<hbm>> -> memref<64x768xf32, #tpu.memory_space<hbm>>
    %dma_start3A_577 = arith.constant 0 : i32
    %dma_start3A_578 = arith.constant 0 : i32
    %dma_start3A_579 = tpu.memref_slice %arg4[%dma_start3A_568, %dma_start3A_577, %dma_start3A_578] : memref<2x64x768xf32, #tpu.memory_space<vmem>> -> memref<1x64x768xf32, #tpu.memory_space<vmem>>
    %dma_start3A_580 = tpu.memref_squeeze %dma_start3A_579 : memref<1x64x768xf32, #tpu.memory_space<vmem>> -> memref<64x768xf32, #tpu.memory_space<vmem>>
    tpu.enqueue_dma source(%dma_start3A_580 : memref<64x768xf32, #tpu.memory_space<vmem>>) target(%dma_start3A_576 : memref<64x768xf32, #tpu.memory_space<hbm>>) target_semaphore(%arg8 : memref<!tpu.dma_semaphore, #tpu.memory_space<semaphore_mem>>)
    %dma_start3A_581 = arith.constant 1 : i32
    %dma_start3A_582 = arith.constant 5 : i32
    %dma_start3A_583 = arith.constant 0 : i32
    %dma_start3A_584 = arith.constant 0 : i32
    %dma_start3A_585 = tpu.memref_slice %arg4[%dma_start3A_581, %dma_start3A_583, %dma_start3A_584] : memref<2x64x768xf32, #tpu.memory_space<vmem>> -> memref<1x64x768xf32, #tpu.memory_space<vmem>>
    %dma_start3A_586 = tpu.memref_squeeze %dma_start3A_585 : memref<1x64x768xf32, #tpu.memory_space<vmem>> -> memref<64x768xf32, #tpu.memory_space<vmem>>
    %dma_start3A_587 = arith.constant 0 : i32
    %dma_start3A_588 = tpu.memref_slice %arg5[%dma_start3A_582, %dma_start3A_587] : memref<8x64xi32, #tpu.memory_space<vmem>> -> memref<1x64xi32, #tpu.memory_space<vmem>>
    %dma_start3A_589 = tpu.memref_squeeze %dma_start3A_588 : memref<1x64xi32, #tpu.memory_space<vmem>> -> memref<64xi32, #tpu.memory_space<vmem>>
    %dma_start3A_590 = arith.constant 0 : i32
    %dma_start3A_591 = arith.constant 0 : i32
    %dma_start3A_592 = tpu.memref_slice %arg3[%dma_start3A_590, %dma_start3A_591] : memref<32768x768xf32, #tpu.memory_space<hbm>> -> memref<32768x768xf32, #tpu.memory_space<hbm>>
    tpu.enqueue_indirect_dma source(%dma_start3A_586 : memref<64x768xf32, #tpu.memory_space<vmem>>) target(%dma_start3A_592 : memref<32768x768xf32, #tpu.memory_space<hbm>>) offsets(%dma_start3A_589 : memref<64xi32, #tpu.memory_space<vmem>>) semaphore(%arg8 : memref<!tpu.dma_semaphore, #tpu.memory_space<semaphore_mem>>)
    %add3A_593 = arith.constant 20480 : i32
    %add3A_594 = arith.addi %add3A_593, %add3A_538 : i32
    %dma_start3A_595 = arith.constant 1 : i32
    %dma_start3A_596 = arith.constant 0 : i32
    %dma_start3A_597 = arith.constant 0 : i32
    %dma_start3A_598 = tpu.memref_slice %arg4[%dma_start3A_595, %dma_start3A_596, %dma_start3A_597] : memref<2x64x768xf32, #tpu.memory_space<vmem>> -> memref<1x64x768xf32, #tpu.memory_space<vmem>>
    %dma_start3A_599 = tpu.memref_squeeze %dma_start3A_598 : memref<1x64x768xf32, #tpu.memory_space<vmem>> -> memref<64x768xf32, #tpu.memory_space<vmem>>
    %dma_start3A_600 = arith.constant 0 : i32
    %dma_start3A_601 = tpu.memref_slice %arg3[%add3A_594, %dma_start3A_600] : memref<32768x768xf32, #tpu.memory_space<hbm>> -> memref<64x768xf32, #tpu.memory_space<hbm>>
    %dma_start3A_602 = arith.constant 0 : i32
    %dma_start3A_603 = tpu.memref_slice %arg3[%add3A_594, %dma_start3A_602] : memref<32768x768xf32, #tpu.memory_space<hbm>> -> memref<64x768xf32, #tpu.memory_space<hbm>>
    %dma_start3A_604 = arith.constant 0 : i32
    %dma_start3A_605 = arith.constant 0 : i32
    %dma_start3A_606 = tpu.memref_slice %arg4[%dma_start3A_595, %dma_start3A_604, %dma_start3A_605] : memref<2x64x768xf32, #tpu.memory_space<vmem>> -> memref<1x64x768xf32, #tpu.memory_space<vmem>>
    %dma_start3A_607 = tpu.memref_squeeze %dma_start3A_606 : memref<1x64x768xf32, #tpu.memory_space<vmem>> -> memref<64x768xf32, #tpu.memory_space<vmem>>
    tpu.enqueue_dma source(%dma_start3A_607 : memref<64x768xf32, #tpu.memory_space<vmem>>) target(%dma_start3A_603 : memref<64x768xf32, #tpu.memory_space<hbm>>) target_semaphore(%arg8 : memref<!tpu.dma_semaphore, #tpu.memory_space<semaphore_mem>>)
    %dma_start3A_608 = arith.constant 1 : i32
    %dma_start3A_609 = arith.constant 6 : i32
    %dma_start3A_610 = arith.constant 0 : i32
    %dma_start3A_611 = arith.constant 0 : i32
    %dma_start3A_612 = tpu.memref_slice %arg4[%dma_start3A_608, %dma_start3A_610, %dma_start3A_611] : memref<2x64x768xf32, #tpu.memory_space<vmem>> -> memref<1x64x768xf32, #tpu.memory_space<vmem>>
    %dma_start3A_613 = tpu.memref_squeeze %dma_start3A_612 : memref<1x64x768xf32, #tpu.memory_space<vmem>> -> memref<64x768xf32, #tpu.memory_space<vmem>>
    %dma_start3A_614 = arith.constant 0 : i32
    %dma_start3A_615 = tpu.memref_slice %arg5[%dma_start3A_609, %dma_start3A_614] : memref<8x64xi32, #tpu.memory_space<vmem>> -> memref<1x64xi32, #tpu.memory_space<vmem>>
    %dma_start3A_616 = tpu.memref_squeeze %dma_start3A_615 : memref<1x64xi32, #tpu.memory_space<vmem>> -> memref<64xi32, #tpu.memory_space<vmem>>
    %dma_start3A_617 = arith.constant 0 : i32
    %dma_start3A_618 = arith.constant 0 : i32
    %dma_start3A_619 = tpu.memref_slice %arg3[%dma_start3A_617, %dma_start3A_618] : memref<32768x768xf32, #tpu.memory_space<hbm>> -> memref<32768x768xf32, #tpu.memory_space<hbm>>
    tpu.enqueue_indirect_dma source(%dma_start3A_613 : memref<64x768xf32, #tpu.memory_space<vmem>>) target(%dma_start3A_619 : memref<32768x768xf32, #tpu.memory_space<hbm>>) offsets(%dma_start3A_616 : memref<64xi32, #tpu.memory_space<vmem>>) semaphore(%arg8 : memref<!tpu.dma_semaphore, #tpu.memory_space<semaphore_mem>>)
    %add3A_620 = arith.constant 28672 : i32
    %add3A_621 = arith.addi %add3A_620, %add3A_538 : i32
    %dma_start3A_622 = arith.constant 1 : i32
    %dma_start3A_623 = arith.constant 0 : i32
    %dma_start3A_624 = arith.constant 0 : i32
    %dma_start3A_625 = tpu.memref_slice %arg4[%dma_start3A_622, %dma_start3A_623, %dma_start3A_624] : memref<2x64x768xf32, #tpu.memory_space<vmem>> -> memref<1x64x768xf32, #tpu.memory_space<vmem>>
    %dma_start3A_626 = tpu.memref_squeeze %dma_start3A_625 : memref<1x64x768xf32, #tpu.memory_space<vmem>> -> memref<64x768xf32, #tpu.memory_space<vmem>>
    %dma_start3A_627 = arith.constant 0 : i32
    %dma_start3A_628 = tpu.memref_slice %arg3[%add3A_621, %dma_start3A_627] : memref<32768x768xf32, #tpu.memory_space<hbm>> -> memref<64x768xf32, #tpu.memory_space<hbm>>
    %dma_start3A_629 = arith.constant 0 : i32
    %dma_start3A_630 = tpu.memref_slice %arg3[%add3A_621, %dma_start3A_629] : memref<32768x768xf32, #tpu.memory_space<hbm>> -> memref<64x768xf32, #tpu.memory_space<hbm>>
    %dma_start3A_631 = arith.constant 0 : i32
    %dma_start3A_632 = arith.constant 0 : i32
    %dma_start3A_633 = tpu.memref_slice %arg4[%dma_start3A_622, %dma_start3A_631, %dma_start3A_632] : memref<2x64x768xf32, #tpu.memory_space<vmem>> -> memref<1x64x768xf32, #tpu.memory_space<vmem>>
    %dma_start3A_634 = tpu.memref_squeeze %dma_start3A_633 : memref<1x64x768xf32, #tpu.memory_space<vmem>> -> memref<64x768xf32, #tpu.memory_space<vmem>>
    tpu.enqueue_dma source(%dma_start3A_634 : memref<64x768xf32, #tpu.memory_space<vmem>>) target(%dma_start3A_630 : memref<64x768xf32, #tpu.memory_space<hbm>>) target_semaphore(%arg8 : memref<!tpu.dma_semaphore, #tpu.memory_space<semaphore_mem>>)
    %dma_start3A_635 = arith.constant 1 : i32
    %dma_start3A_636 = arith.constant 7 : i32
    %dma_start3A_637 = arith.constant 0 : i32
    %dma_start3A_638 = arith.constant 0 : i32
    %dma_start3A_639 = tpu.memref_slice %arg4[%dma_start3A_635, %dma_start3A_637, %dma_start3A_638] : memref<2x64x768xf32, #tpu.memory_space<vmem>> -> memref<1x64x768xf32, #tpu.memory_space<vmem>>
    %dma_start3A_640 = tpu.memref_squeeze %dma_start3A_639 : memref<1x64x768xf32, #tpu.memory_space<vmem>> -> memref<64x768xf32, #tpu.memory_space<vmem>>
    %dma_start3A_641 = arith.constant 0 : i32
    %dma_start3A_642 = tpu.memref_slice %arg5[%dma_start3A_636, %dma_start3A_641] : memref<8x64xi32, #tpu.memory_space<vmem>> -> memref<1x64xi32, #tpu.memory_space<vmem>>
    %dma_start3A_643 = tpu.memref_squeeze %dma_start3A_642 : memref<1x64xi32, #tpu.memory_space<vmem>> -> memref<64xi32, #tpu.memory_space<vmem>>
    %dma_start3A_644 = arith.constant 0 : i32
    %dma_start3A_645 = arith.constant 0 : i32
    %dma_start3A_646 = tpu.memref_slice %arg3[%dma_start3A_644, %dma_start3A_645] : memref<32768x768xf32, #tpu.memory_space<hbm>> -> memref<32768x768xf32, #tpu.memory_space<hbm>>
    tpu.enqueue_indirect_dma source(%dma_start3A_640 : memref<64x768xf32, #tpu.memory_space<vmem>>) target(%dma_start3A_646 : memref<32768x768xf32, #tpu.memory_space<hbm>>) offsets(%dma_start3A_643 : memref<64xi32, #tpu.memory_space<vmem>>) semaphore(%arg8 : memref<!tpu.dma_semaphore, #tpu.memory_space<semaphore_mem>>)
    %eq3A = arith.constant 0 : i32
    %eq3A_647 = arith.cmpi eq, %add3A, %eq3A : i32
    %convert_element_type3A = arith.extui %eq3A_647 : i1 to i32
    %cond3A = arith.constant 0 : i32
    %cond3A_648 = arith.cmpi ne, %convert_element_type3A, %cond3A : i32
    scf.if %cond3A_648 {
      "tpu.region"() ({
        %run_scoped3A = tpu.sem_alloc : memref<!tpu.dma_semaphore, #tpu.memory_space<semaphore_mem>>
        %dma_start3A_849 = arith.constant 4096 : i32
        %dma_start3A_850 = arith.constant 0 : i32
        %dma_start3A_851 = tpu.memref_slice %arg2[%dma_start3A_849, %dma_start3A_850] : memref<8192x768xf32, #tpu.memory_space<hbm>> -> memref<1x768xf32, #tpu.memory_space<hbm>>
        %dma_start3A_852 = arith.constant 4096 : i32
        %dma_start3A_853 = arith.constant 0 : i32
        %dma_start3A_854 = tpu.memref_slice %arg2[%dma_start3A_852, %dma_start3A_853] : memref<8192x768xf32, #tpu.memory_space<hbm>> -> memref<1x768xf32, #tpu.memory_space<hbm>>
        tpu.enqueue_dma source(%dma_start3A_854 : memref<1x768xf32, #tpu.memory_space<hbm>>) target(%arg6 : memref<1x768xf32, #tpu.memory_space<vmem>>) target_semaphore(%run_scoped3A : memref<!tpu.dma_semaphore, #tpu.memory_space<semaphore_mem>>)
        %dma_wait3A_855 = arith.constant 4096 : i32
        %dma_wait3A_856 = arith.constant 0 : i32
        %dma_wait3A_857 = tpu.memref_slice %arg2[%dma_wait3A_855, %dma_wait3A_856] : memref<8192x768xf32, #tpu.memory_space<hbm>> -> memref<1x768xf32, #tpu.memory_space<hbm>>
        %dma_wait3A_858 = arith.constant 4096 : i32
        %dma_wait3A_859 = arith.constant 0 : i32
        %dma_wait3A_860 = tpu.memref_slice %arg2[%dma_wait3A_858, %dma_wait3A_859] : memref<8192x768xf32, #tpu.memory_space<hbm>> -> memref<1x768xf32, #tpu.memory_space<hbm>>
        tpu.wait_dma2 semaphore(%run_scoped3A : memref<!tpu.dma_semaphore, #tpu.memory_space<semaphore_mem>>) src(%dma_wait3A_860 : memref<1x768xf32, #tpu.memory_space<hbm>>) dst(%arg6 : memref<1x768xf32, #tpu.memory_space<vmem>>)
        tpu.yield
      }) : () -> ()
      "tpu.region"() ({
        %run_scoped3A = tpu.sem_alloc : memref<!tpu.dma_semaphore, #tpu.memory_space<semaphore_mem>>
        %dma_start3A_849 = arith.constant 0 : i32
        %dma_start3A_850 = arith.constant 0 : i32
        %dma_start3A_851 = tpu.memref_slice %arg3[%dma_start3A_849, %dma_start3A_850] : memref<32768x768xf32, #tpu.memory_space<hbm>> -> memref<1x768xf32, #tpu.memory_space<hbm>>
        %dma_start3A_852 = arith.constant 0 : i32
        %dma_start3A_853 = arith.constant 0 : i32
        %dma_start3A_854 = tpu.memref_slice %arg3[%dma_start3A_852, %dma_start3A_853] : memref<32768x768xf32, #tpu.memory_space<hbm>> -> memref<1x768xf32, #tpu.memory_space<hbm>>
        tpu.enqueue_dma source(%arg6 : memref<1x768xf32, #tpu.memory_space<vmem>>) target(%dma_start3A_854 : memref<1x768xf32, #tpu.memory_space<hbm>>) target_semaphore(%run_scoped3A : memref<!tpu.dma_semaphore, #tpu.memory_space<semaphore_mem>>)
        %dma_wait3A_855 = arith.constant 0 : i32
        %dma_wait3A_856 = arith.constant 0 : i32
        %dma_wait3A_857 = tpu.memref_slice %arg3[%dma_wait3A_855, %dma_wait3A_856] : memref<32768x768xf32, #tpu.memory_space<hbm>> -> memref<1x768xf32, #tpu.memory_space<hbm>>
        %dma_wait3A_858 = arith.constant 0 : i32
        %dma_wait3A_859 = arith.constant 0 : i32
        %dma_wait3A_860 = tpu.memref_slice %arg3[%dma_wait3A_858, %dma_wait3A_859] : memref<32768x768xf32, #tpu.memory_space<hbm>> -> memref<1x768xf32, #tpu.memory_space<hbm>>
        tpu.wait_dma2 semaphore(%run_scoped3A : memref<!tpu.dma_semaphore, #tpu.memory_space<semaphore_mem>>) src(%arg6 : memref<1x768xf32, #tpu.memory_space<vmem>>) dst(%dma_wait3A_860 : memref<1x768xf32, #tpu.memory_space<hbm>>)
        tpu.yield
      }) : () -> ()
      "tpu.region"() ({
        %run_scoped3A = tpu.sem_alloc : memref<!tpu.dma_semaphore, #tpu.memory_space<semaphore_mem>>
        %dma_start3A_849 = arith.constant 8192 : i32
        %dma_start3A_850 = arith.constant 0 : i32
        %dma_start3A_851 = tpu.memref_slice %arg3[%dma_start3A_849, %dma_start3A_850] : memref<32768x768xf32, #tpu.memory_space<hbm>> -> memref<1x768xf32, #tpu.memory_space<hbm>>
        %dma_start3A_852 = arith.constant 8192 : i32
        %dma_start3A_853 = arith.constant 0 : i32
        %dma_start3A_854 = tpu.memref_slice %arg3[%dma_start3A_852, %dma_start3A_853] : memref<32768x768xf32, #tpu.memory_space<hbm>> -> memref<1x768xf32, #tpu.memory_space<hbm>>
        tpu.enqueue_dma source(%arg6 : memref<1x768xf32, #tpu.memory_space<vmem>>) target(%dma_start3A_854 : memref<1x768xf32, #tpu.memory_space<hbm>>) target_semaphore(%run_scoped3A : memref<!tpu.dma_semaphore, #tpu.memory_space<semaphore_mem>>)
        %dma_wait3A_855 = arith.constant 8192 : i32
        %dma_wait3A_856 = arith.constant 0 : i32
        %dma_wait3A_857 = tpu.memref_slice %arg3[%dma_wait3A_855, %dma_wait3A_856] : memref<32768x768xf32, #tpu.memory_space<hbm>> -> memref<1x768xf32, #tpu.memory_space<hbm>>
        %dma_wait3A_858 = arith.constant 8192 : i32
        %dma_wait3A_859 = arith.constant 0 : i32
        %dma_wait3A_860 = tpu.memref_slice %arg3[%dma_wait3A_858, %dma_wait3A_859] : memref<32768x768xf32, #tpu.memory_space<hbm>> -> memref<1x768xf32, #tpu.memory_space<hbm>>
        tpu.wait_dma2 semaphore(%run_scoped3A : memref<!tpu.dma_semaphore, #tpu.memory_space<semaphore_mem>>) src(%arg6 : memref<1x768xf32, #tpu.memory_space<vmem>>) dst(%dma_wait3A_860 : memref<1x768xf32, #tpu.memory_space<hbm>>)
        tpu.yield
      }) : () -> ()
      "tpu.region"() ({
        %run_scoped3A = tpu.sem_alloc : memref<!tpu.dma_semaphore, #tpu.memory_space<semaphore_mem>>
        %dma_start3A_849 = arith.constant 16384 : i32
        %dma_start3A_850 = arith.constant 0 : i32
        %dma_start3A_851 = tpu.memref_slice %arg3[%dma_start3A_849, %dma_start3A_850] : memref<32768x768xf32, #tpu.memory_space<hbm>> -> memref<1x768xf32, #tpu.memory_space<hbm>>
        %dma_start3A_852 = arith.constant 16384 : i32
        %dma_start3A_853 = arith.constant 0 : i32
        %dma_start3A_854 = tpu.memref_slice %arg3[%dma_start3A_852, %dma_start3A_853] : memref<32768x768xf32, #tpu.memory_space<hbm>> -> memref<1x768xf32, #tpu.memory_space<hbm>>
        tpu.enqueue_dma source(%arg6 : memref<1x768xf32, #tpu.memory_space<vmem>>) target(%dma_start3A_854 : memref<1x768xf32, #tpu.memory_space<hbm>>) target_semaphore(%run_scoped3A : memref<!tpu.dma_semaphore, #tpu.memory_space<semaphore_mem>>)
        %dma_wait3A_855 = arith.constant 16384 : i32
        %dma_wait3A_856 = arith.constant 0 : i32
        %dma_wait3A_857 = tpu.memref_slice %arg3[%dma_wait3A_855, %dma_wait3A_856] : memref<32768x768xf32, #tpu.memory_space<hbm>> -> memref<1x768xf32, #tpu.memory_space<hbm>>
        %dma_wait3A_858 = arith.constant 16384 : i32
        %dma_wait3A_859 = arith.constant 0 : i32
        %dma_wait3A_860 = tpu.memref_slice %arg3[%dma_wait3A_858, %dma_wait3A_859] : memref<32768x768xf32, #tpu.memory_space<hbm>> -> memref<1x768xf32, #tpu.memory_space<hbm>>
        tpu.wait_dma2 semaphore(%run_scoped3A : memref<!tpu.dma_semaphore, #tpu.memory_space<semaphore_mem>>) src(%arg6 : memref<1x768xf32, #tpu.memory_space<vmem>>) dst(%dma_wait3A_860 : memref<1x768xf32, #tpu.memory_space<hbm>>)
        tpu.yield
      }) : () -> ()
      "tpu.region"() ({
        %run_scoped3A = tpu.sem_alloc : memref<!tpu.dma_semaphore, #tpu.memory_space<semaphore_mem>>
        %dma_start3A_849 = arith.constant 24576 : i32
        %dma_start3A_850 = arith.constant 0 : i32
        %dma_start3A_851 = tpu.memref_slice %arg3[%dma_start3A_849, %dma_start3A_850] : memref<32768x768xf32, #tpu.memory_space<hbm>> -> memref<1x768xf32, #tpu.memory_space<hbm>>
        %dma_start3A_852 = arith.constant 24576 : i32
        %dma_start3A_853 = arith.constant 0 : i32
        %dma_start3A_854 = tpu.memref_slice %arg3[%dma_start3A_852, %dma_start3A_853] : memref<32768x768xf32, #tpu.memory_space<hbm>> -> memref<1x768xf32, #tpu.memory_space<hbm>>
        tpu.enqueue_dma source(%arg6 : memref<1x768xf32, #tpu.memory_space<vmem>>) target(%dma_start3A_854 : memref<1x768xf32, #tpu.memory_space<hbm>>) target_semaphore(%run_scoped3A : memref<!tpu.dma_semaphore, #tpu.memory_space<semaphore_mem>>)
        %dma_wait3A_855 = arith.constant 24576 : i32
        %dma_wait3A_856 = arith.constant 0 : i32
        %dma_wait3A_857 = tpu.memref_slice %arg3[%dma_wait3A_855, %dma_wait3A_856] : memref<32768x768xf32, #tpu.memory_space<hbm>> -> memref<1x768xf32, #tpu.memory_space<hbm>>
        %dma_wait3A_858 = arith.constant 24576 : i32
        %dma_wait3A_859 = arith.constant 0 : i32
        %dma_wait3A_860 = tpu.memref_slice %arg3[%dma_wait3A_858, %dma_wait3A_859] : memref<32768x768xf32, #tpu.memory_space<hbm>> -> memref<1x768xf32, #tpu.memory_space<hbm>>
        tpu.wait_dma2 semaphore(%run_scoped3A : memref<!tpu.dma_semaphore, #tpu.memory_space<semaphore_mem>>) src(%arg6 : memref<1x768xf32, #tpu.memory_space<vmem>>) dst(%dma_wait3A_860 : memref<1x768xf32, #tpu.memory_space<hbm>>)
        tpu.yield
      }) : () -> ()
    } else {
    }
    %dma_wait3A_649 = arith.constant 0 : i32
    %dma_wait3A_650 = arith.constant 0 : i32
    %dma_wait3A_651 = arith.constant 0 : i32
    %dma_wait3A_652 = tpu.memref_slice %arg4[%dma_wait3A_649, %dma_wait3A_650, %dma_wait3A_651] : memref<2x64x768xf32, #tpu.memory_space<vmem>> -> memref<1x64x768xf32, #tpu.memory_space<vmem>>
    %dma_wait3A_653 = tpu.memref_squeeze %dma_wait3A_652 : memref<1x64x768xf32, #tpu.memory_space<vmem>> -> memref<64x768xf32, #tpu.memory_space<vmem>>
    %dma_wait3A_654 = arith.constant 0 : i32
    %dma_wait3A_655 = tpu.memref_slice %arg3[%add3A_415, %dma_wait3A_654] : memref<32768x768xf32, #tpu.memory_space<hbm>> -> memref<64x768xf32, #tpu.memory_space<hbm>>
    %dma_wait3A_656 = arith.constant 0 : i32
    %dma_wait3A_657 = tpu.memref_slice %arg3[%add3A_415, %dma_wait3A_656] : memref<32768x768xf32, #tpu.memory_space<hbm>> -> memref<64x768xf32, #tpu.memory_space<hbm>>
    %dma_wait3A_658 = arith.constant 0 : i32
    %dma_wait3A_659 = arith.constant 0 : i32
    %dma_wait3A_660 = tpu.memref_slice %arg4[%dma_wait3A_649, %dma_wait3A_658, %dma_wait3A_659] : memref<2x64x768xf32, #tpu.memory_space<vmem>> -> memref<1x64x768xf32, #tpu.memory_space<vmem>>
    %dma_wait3A_661 = tpu.memref_squeeze %dma_wait3A_660 : memref<1x64x768xf32, #tpu.memory_space<vmem>> -> memref<64x768xf32, #tpu.memory_space<vmem>>
    tpu.wait_dma2 semaphore(%arg8 : memref<!tpu.dma_semaphore, #tpu.memory_space<semaphore_mem>>) src(%dma_wait3A_661 : memref<64x768xf32, #tpu.memory_space<vmem>>) dst(%dma_wait3A_657 : memref<64x768xf32, #tpu.memory_space<hbm>>)
    %dma_wait3A_662 = arith.constant 0 : i32
    %dma_wait3A_663 = arith.constant 0 : i32
    %dma_wait3A_664 = arith.constant 0 : i32
    %dma_wait3A_665 = arith.constant 0 : i32
    %dma_wait3A_666 = tpu.memref_slice %arg4[%dma_wait3A_662, %dma_wait3A_664, %dma_wait3A_665] : memref<2x64x768xf32, #tpu.memory_space<vmem>> -> memref<1x64x768xf32, #tpu.memory_space<vmem>>
    %dma_wait3A_667 = tpu.memref_squeeze %dma_wait3A_666 : memref<1x64x768xf32, #tpu.memory_space<vmem>> -> memref<64x768xf32, #tpu.memory_space<vmem>>
    %dma_wait3A_668 = arith.constant 0 : i32
    %dma_wait3A_669 = tpu.memref_slice %arg5[%dma_wait3A_663, %dma_wait3A_668] : memref<8x64xi32, #tpu.memory_space<vmem>> -> memref<1x64xi32, #tpu.memory_space<vmem>>
    %dma_wait3A_670 = tpu.memref_squeeze %dma_wait3A_669 : memref<1x64xi32, #tpu.memory_space<vmem>> -> memref<64xi32, #tpu.memory_space<vmem>>
    %dma_wait3A_671 = arith.constant 0 : i32
    %dma_wait3A_672 = arith.constant 0 : i32
    %dma_wait3A_673 = tpu.memref_slice %arg3[%dma_wait3A_671, %dma_wait3A_672] : memref<32768x768xf32, #tpu.memory_space<hbm>> -> memref<32768x768xf32, #tpu.memory_space<hbm>>
    tpu.wait_indirect_dma semaphore(%arg8 : memref<!tpu.dma_semaphore, #tpu.memory_space<semaphore_mem>>) src(%dma_wait3A_667 : memref<64x768xf32, #tpu.memory_space<vmem>>) dst(%dma_wait3A_673 : memref<32768x768xf32, #tpu.memory_space<hbm>>)
    %dma_wait3A_674 = arith.constant 0 : i32
    %dma_wait3A_675 = arith.constant 0 : i32
    %dma_wait3A_676 = arith.constant 0 : i32
    %dma_wait3A_677 = tpu.memref_slice %arg4[%dma_wait3A_674, %dma_wait3A_675, %dma_wait3A_676] : memref<2x64x768xf32, #tpu.memory_space<vmem>> -> memref<1x64x768xf32, #tpu.memory_space<vmem>>
    %dma_wait3A_678 = tpu.memref_squeeze %dma_wait3A_677 : memref<1x64x768xf32, #tpu.memory_space<vmem>> -> memref<64x768xf32, #tpu.memory_space<vmem>>
    %dma_wait3A_679 = arith.constant 0 : i32
    %dma_wait3A_680 = tpu.memref_slice %arg3[%add3A_442, %dma_wait3A_679] : memref<32768x768xf32, #tpu.memory_space<hbm>> -> memref<64x768xf32, #tpu.memory_space<hbm>>
    %dma_wait3A_681 = arith.constant 0 : i32
    %dma_wait3A_682 = tpu.memref_slice %arg3[%add3A_442, %dma_wait3A_681] : memref<32768x768xf32, #tpu.memory_space<hbm>> -> memref<64x768xf32, #tpu.memory_space<hbm>>
    %dma_wait3A_683 = arith.constant 0 : i32
    %dma_wait3A_684 = arith.constant 0 : i32
    %dma_wait3A_685 = tpu.memref_slice %arg4[%dma_wait3A_674, %dma_wait3A_683, %dma_wait3A_684] : memref<2x64x768xf32, #tpu.memory_space<vmem>> -> memref<1x64x768xf32, #tpu.memory_space<vmem>>
    %dma_wait3A_686 = tpu.memref_squeeze %dma_wait3A_685 : memref<1x64x768xf32, #tpu.memory_space<vmem>> -> memref<64x768xf32, #tpu.memory_space<vmem>>
    tpu.wait_dma2 semaphore(%arg8 : memref<!tpu.dma_semaphore, #tpu.memory_space<semaphore_mem>>) src(%dma_wait3A_686 : memref<64x768xf32, #tpu.memory_space<vmem>>) dst(%dma_wait3A_682 : memref<64x768xf32, #tpu.memory_space<hbm>>)
    %dma_wait3A_687 = arith.constant 0 : i32
    %dma_wait3A_688 = arith.constant 1 : i32
    %dma_wait3A_689 = arith.constant 0 : i32
    %dma_wait3A_690 = arith.constant 0 : i32
    %dma_wait3A_691 = tpu.memref_slice %arg4[%dma_wait3A_687, %dma_wait3A_689, %dma_wait3A_690] : memref<2x64x768xf32, #tpu.memory_space<vmem>> -> memref<1x64x768xf32, #tpu.memory_space<vmem>>
    %dma_wait3A_692 = tpu.memref_squeeze %dma_wait3A_691 : memref<1x64x768xf32, #tpu.memory_space<vmem>> -> memref<64x768xf32, #tpu.memory_space<vmem>>
    %dma_wait3A_693 = arith.constant 0 : i32
    %dma_wait3A_694 = tpu.memref_slice %arg5[%dma_wait3A_688, %dma_wait3A_693] : memref<8x64xi32, #tpu.memory_space<vmem>> -> memref<1x64xi32, #tpu.memory_space<vmem>>
    %dma_wait3A_695 = tpu.memref_squeeze %dma_wait3A_694 : memref<1x64xi32, #tpu.memory_space<vmem>> -> memref<64xi32, #tpu.memory_space<vmem>>
    %dma_wait3A_696 = arith.constant 0 : i32
    %dma_wait3A_697 = arith.constant 0 : i32
    %dma_wait3A_698 = tpu.memref_slice %arg3[%dma_wait3A_696, %dma_wait3A_697] : memref<32768x768xf32, #tpu.memory_space<hbm>> -> memref<32768x768xf32, #tpu.memory_space<hbm>>
    tpu.wait_indirect_dma semaphore(%arg8 : memref<!tpu.dma_semaphore, #tpu.memory_space<semaphore_mem>>) src(%dma_wait3A_692 : memref<64x768xf32, #tpu.memory_space<vmem>>) dst(%dma_wait3A_698 : memref<32768x768xf32, #tpu.memory_space<hbm>>)
    %dma_wait3A_699 = arith.constant 0 : i32
    %dma_wait3A_700 = arith.constant 0 : i32
    %dma_wait3A_701 = arith.constant 0 : i32
    %dma_wait3A_702 = tpu.memref_slice %arg4[%dma_wait3A_699, %dma_wait3A_700, %dma_wait3A_701] : memref<2x64x768xf32, #tpu.memory_space<vmem>> -> memref<1x64x768xf32, #tpu.memory_space<vmem>>
    %dma_wait3A_703 = tpu.memref_squeeze %dma_wait3A_702 : memref<1x64x768xf32, #tpu.memory_space<vmem>> -> memref<64x768xf32, #tpu.memory_space<vmem>>
    %dma_wait3A_704 = arith.constant 0 : i32
    %dma_wait3A_705 = tpu.memref_slice %arg3[%add3A_469, %dma_wait3A_704] : memref<32768x768xf32, #tpu.memory_space<hbm>> -> memref<64x768xf32, #tpu.memory_space<hbm>>
    %dma_wait3A_706 = arith.constant 0 : i32
    %dma_wait3A_707 = tpu.memref_slice %arg3[%add3A_469, %dma_wait3A_706] : memref<32768x768xf32, #tpu.memory_space<hbm>> -> memref<64x768xf32, #tpu.memory_space<hbm>>
    %dma_wait3A_708 = arith.constant 0 : i32
    %dma_wait3A_709 = arith.constant 0 : i32
    %dma_wait3A_710 = tpu.memref_slice %arg4[%dma_wait3A_699, %dma_wait3A_708, %dma_wait3A_709] : memref<2x64x768xf32, #tpu.memory_space<vmem>> -> memref<1x64x768xf32, #tpu.memory_space<vmem>>
    %dma_wait3A_711 = tpu.memref_squeeze %dma_wait3A_710 : memref<1x64x768xf32, #tpu.memory_space<vmem>> -> memref<64x768xf32, #tpu.memory_space<vmem>>
    tpu.wait_dma2 semaphore(%arg8 : memref<!tpu.dma_semaphore, #tpu.memory_space<semaphore_mem>>) src(%dma_wait3A_711 : memref<64x768xf32, #tpu.memory_space<vmem>>) dst(%dma_wait3A_707 : memref<64x768xf32, #tpu.memory_space<hbm>>)
    %dma_wait3A_712 = arith.constant 0 : i32
    %dma_wait3A_713 = arith.constant 2 : i32
    %dma_wait3A_714 = arith.constant 0 : i32
    %dma_wait3A_715 = arith.constant 0 : i32
    %dma_wait3A_716 = tpu.memref_slice %arg4[%dma_wait3A_712, %dma_wait3A_714, %dma_wait3A_715] : memref<2x64x768xf32, #tpu.memory_space<vmem>> -> memref<1x64x768xf32, #tpu.memory_space<vmem>>
    %dma_wait3A_717 = tpu.memref_squeeze %dma_wait3A_716 : memref<1x64x768xf32, #tpu.memory_space<vmem>> -> memref<64x768xf32, #tpu.memory_space<vmem>>
    %dma_wait3A_718 = arith.constant 0 : i32
    %dma_wait3A_719 = tpu.memref_slice %arg5[%dma_wait3A_713, %dma_wait3A_718] : memref<8x64xi32, #tpu.memory_space<vmem>> -> memref<1x64xi32, #tpu.memory_space<vmem>>
    %dma_wait3A_720 = tpu.memref_squeeze %dma_wait3A_719 : memref<1x64xi32, #tpu.memory_space<vmem>> -> memref<64xi32, #tpu.memory_space<vmem>>
    %dma_wait3A_721 = arith.constant 0 : i32
    %dma_wait3A_722 = arith.constant 0 : i32
    %dma_wait3A_723 = tpu.memref_slice %arg3[%dma_wait3A_721, %dma_wait3A_722] : memref<32768x768xf32, #tpu.memory_space<hbm>> -> memref<32768x768xf32, #tpu.memory_space<hbm>>
    tpu.wait_indirect_dma semaphore(%arg8 : memref<!tpu.dma_semaphore, #tpu.memory_space<semaphore_mem>>) src(%dma_wait3A_717 : memref<64x768xf32, #tpu.memory_space<vmem>>) dst(%dma_wait3A_723 : memref<32768x768xf32, #tpu.memory_space<hbm>>)
    %dma_wait3A_724 = arith.constant 0 : i32
    %dma_wait3A_725 = arith.constant 0 : i32
    %dma_wait3A_726 = arith.constant 0 : i32
    %dma_wait3A_727 = tpu.memref_slice %arg4[%dma_wait3A_724, %dma_wait3A_725, %dma_wait3A_726] : memref<2x64x768xf32, #tpu.memory_space<vmem>> -> memref<1x64x768xf32, #tpu.memory_space<vmem>>
    %dma_wait3A_728 = tpu.memref_squeeze %dma_wait3A_727 : memref<1x64x768xf32, #tpu.memory_space<vmem>> -> memref<64x768xf32, #tpu.memory_space<vmem>>
    %dma_wait3A_729 = arith.constant 0 : i32
    %dma_wait3A_730 = tpu.memref_slice %arg3[%add3A_496, %dma_wait3A_729] : memref<32768x768xf32, #tpu.memory_space<hbm>> -> memref<64x768xf32, #tpu.memory_space<hbm>>
    %dma_wait3A_731 = arith.constant 0 : i32
    %dma_wait3A_732 = tpu.memref_slice %arg3[%add3A_496, %dma_wait3A_731] : memref<32768x768xf32, #tpu.memory_space<hbm>> -> memref<64x768xf32, #tpu.memory_space<hbm>>
    %dma_wait3A_733 = arith.constant 0 : i32
    %dma_wait3A_734 = arith.constant 0 : i32
    %dma_wait3A_735 = tpu.memref_slice %arg4[%dma_wait3A_724, %dma_wait3A_733, %dma_wait3A_734] : memref<2x64x768xf32, #tpu.memory_space<vmem>> -> memref<1x64x768xf32, #tpu.memory_space<vmem>>
    %dma_wait3A_736 = tpu.memref_squeeze %dma_wait3A_735 : memref<1x64x768xf32, #tpu.memory_space<vmem>> -> memref<64x768xf32, #tpu.memory_space<vmem>>
    tpu.wait_dma2 semaphore(%arg8 : memref<!tpu.dma_semaphore, #tpu.memory_space<semaphore_mem>>) src(%dma_wait3A_736 : memref<64x768xf32, #tpu.memory_space<vmem>>) dst(%dma_wait3A_732 : memref<64x768xf32, #tpu.memory_space<hbm>>)
    %dma_wait3A_737 = arith.constant 0 : i32
    %dma_wait3A_738 = arith.constant 3 : i32
    %dma_wait3A_739 = arith.constant 0 : i32
    %dma_wait3A_740 = arith.constant 0 : i32
    %dma_wait3A_741 = tpu.memref_slice %arg4[%dma_wait3A_737, %dma_wait3A_739, %dma_wait3A_740] : memref<2x64x768xf32, #tpu.memory_space<vmem>> -> memref<1x64x768xf32, #tpu.memory_space<vmem>>
    %dma_wait3A_742 = tpu.memref_squeeze %dma_wait3A_741 : memref<1x64x768xf32, #tpu.memory_space<vmem>> -> memref<64x768xf32, #tpu.memory_space<vmem>>
    %dma_wait3A_743 = arith.constant 0 : i32
    %dma_wait3A_744 = tpu.memref_slice %arg5[%dma_wait3A_738, %dma_wait3A_743] : memref<8x64xi32, #tpu.memory_space<vmem>> -> memref<1x64xi32, #tpu.memory_space<vmem>>
    %dma_wait3A_745 = tpu.memref_squeeze %dma_wait3A_744 : memref<1x64xi32, #tpu.memory_space<vmem>> -> memref<64xi32, #tpu.memory_space<vmem>>
    %dma_wait3A_746 = arith.constant 0 : i32
    %dma_wait3A_747 = arith.constant 0 : i32
    %dma_wait3A_748 = tpu.memref_slice %arg3[%dma_wait3A_746, %dma_wait3A_747] : memref<32768x768xf32, #tpu.memory_space<hbm>> -> memref<32768x768xf32, #tpu.memory_space<hbm>>
    tpu.wait_indirect_dma semaphore(%arg8 : memref<!tpu.dma_semaphore, #tpu.memory_space<semaphore_mem>>) src(%dma_wait3A_742 : memref<64x768xf32, #tpu.memory_space<vmem>>) dst(%dma_wait3A_748 : memref<32768x768xf32, #tpu.memory_space<hbm>>)
    %dma_wait3A_749 = arith.constant 1 : i32
    %dma_wait3A_750 = arith.constant 0 : i32
    %dma_wait3A_751 = arith.constant 0 : i32
    %dma_wait3A_752 = tpu.memref_slice %arg4[%dma_wait3A_749, %dma_wait3A_750, %dma_wait3A_751] : memref<2x64x768xf32, #tpu.memory_space<vmem>> -> memref<1x64x768xf32, #tpu.memory_space<vmem>>
    %dma_wait3A_753 = tpu.memref_squeeze %dma_wait3A_752 : memref<1x64x768xf32, #tpu.memory_space<vmem>> -> memref<64x768xf32, #tpu.memory_space<vmem>>
    %dma_wait3A_754 = arith.constant 0 : i32
    %dma_wait3A_755 = tpu.memref_slice %arg3[%add3A_540, %dma_wait3A_754] : memref<32768x768xf32, #tpu.memory_space<hbm>> -> memref<64x768xf32, #tpu.memory_space<hbm>>
    %dma_wait3A_756 = arith.constant 0 : i32
    %dma_wait3A_757 = tpu.memref_slice %arg3[%add3A_540, %dma_wait3A_756] : memref<32768x768xf32, #tpu.memory_space<hbm>> -> memref<64x768xf32, #tpu.memory_space<hbm>>
    %dma_wait3A_758 = arith.constant 0 : i32
    %dma_wait3A_759 = arith.constant 0 : i32
    %dma_wait3A_760 = tpu.memref_slice %arg4[%dma_wait3A_749, %dma_wait3A_758, %dma_wait3A_759] : memref<2x64x768xf32, #tpu.memory_space<vmem>> -> memref<1x64x768xf32, #tpu.memory_space<vmem>>
    %dma_wait3A_761 = tpu.memref_squeeze %dma_wait3A_760 : memref<1x64x768xf32, #tpu.memory_space<vmem>> -> memref<64x768xf32, #tpu.memory_space<vmem>>
    tpu.wait_dma2 semaphore(%arg8 : memref<!tpu.dma_semaphore, #tpu.memory_space<semaphore_mem>>) src(%dma_wait3A_761 : memref<64x768xf32, #tpu.memory_space<vmem>>) dst(%dma_wait3A_757 : memref<64x768xf32, #tpu.memory_space<hbm>>)
    %dma_wait3A_762 = arith.constant 1 : i32
    %dma_wait3A_763 = arith.constant 4 : i32
    %dma_wait3A_764 = arith.constant 0 : i32
    %dma_wait3A_765 = arith.constant 0 : i32
    %dma_wait3A_766 = tpu.memref_slice %arg4[%dma_wait3A_762, %dma_wait3A_764, %dma_wait3A_765] : memref<2x64x768xf32, #tpu.memory_space<vmem>> -> memref<1x64x768xf32, #tpu.memory_space<vmem>>
    %dma_wait3A_767 = tpu.memref_squeeze %dma_wait3A_766 : memref<1x64x768xf32, #tpu.memory_space<vmem>> -> memref<64x768xf32, #tpu.memory_space<vmem>>
    %dma_wait3A_768 = arith.constant 0 : i32
    %dma_wait3A_769 = tpu.memref_slice %arg5[%dma_wait3A_763, %dma_wait3A_768] : memref<8x64xi32, #tpu.memory_space<vmem>> -> memref<1x64xi32, #tpu.memory_space<vmem>>
    %dma_wait3A_770 = tpu.memref_squeeze %dma_wait3A_769 : memref<1x64xi32, #tpu.memory_space<vmem>> -> memref<64xi32, #tpu.memory_space<vmem>>
    %dma_wait3A_771 = arith.constant 0 : i32
    %dma_wait3A_772 = arith.constant 0 : i32
    %dma_wait3A_773 = tpu.memref_slice %arg3[%dma_wait3A_771, %dma_wait3A_772] : memref<32768x768xf32, #tpu.memory_space<hbm>> -> memref<32768x768xf32, #tpu.memory_space<hbm>>
    tpu.wait_indirect_dma semaphore(%arg8 : memref<!tpu.dma_semaphore, #tpu.memory_space<semaphore_mem>>) src(%dma_wait3A_767 : memref<64x768xf32, #tpu.memory_space<vmem>>) dst(%dma_wait3A_773 : memref<32768x768xf32, #tpu.memory_space<hbm>>)
    %dma_wait3A_774 = arith.constant 1 : i32
    %dma_wait3A_775 = arith.constant 0 : i32
    %dma_wait3A_776 = arith.constant 0 : i32
    %dma_wait3A_777 = tpu.memref_slice %arg4[%dma_wait3A_774, %dma_wait3A_775, %dma_wait3A_776] : memref<2x64x768xf32, #tpu.memory_space<vmem>> -> memref<1x64x768xf32, #tpu.memory_space<vmem>>
    %dma_wait3A_778 = tpu.memref_squeeze %dma_wait3A_777 : memref<1x64x768xf32, #tpu.memory_space<vmem>> -> memref<64x768xf32, #tpu.memory_space<vmem>>
    %dma_wait3A_779 = arith.constant 0 : i32
    %dma_wait3A_780 = tpu.memref_slice %arg3[%add3A_567, %dma_wait3A_779] : memref<32768x768xf32, #tpu.memory_space<hbm>> -> memref<64x768xf32, #tpu.memory_space<hbm>>
    %dma_wait3A_781 = arith.constant 0 : i32
    %dma_wait3A_782 = tpu.memref_slice %arg3[%add3A_567, %dma_wait3A_781] : memref<32768x768xf32, #tpu.memory_space<hbm>> -> memref<64x768xf32, #tpu.memory_space<hbm>>
    %dma_wait3A_783 = arith.constant 0 : i32
    %dma_wait3A_784 = arith.constant 0 : i32
    %dma_wait3A_785 = tpu.memref_slice %arg4[%dma_wait3A_774, %dma_wait3A_783, %dma_wait3A_784] : memref<2x64x768xf32, #tpu.memory_space<vmem>> -> memref<1x64x768xf32, #tpu.memory_space<vmem>>
    %dma_wait3A_786 = tpu.memref_squeeze %dma_wait3A_785 : memref<1x64x768xf32, #tpu.memory_space<vmem>> -> memref<64x768xf32, #tpu.memory_space<vmem>>
    tpu.wait_dma2 semaphore(%arg8 : memref<!tpu.dma_semaphore, #tpu.memory_space<semaphore_mem>>) src(%dma_wait3A_786 : memref<64x768xf32, #tpu.memory_space<vmem>>) dst(%dma_wait3A_782 : memref<64x768xf32, #tpu.memory_space<hbm>>)
    %dma_wait3A_787 = arith.constant 1 : i32
    %dma_wait3A_788 = arith.constant 5 : i32
    %dma_wait3A_789 = arith.constant 0 : i32
    %dma_wait3A_790 = arith.constant 0 : i32
    %dma_wait3A_791 = tpu.memref_slice %arg4[%dma_wait3A_787, %dma_wait3A_789, %dma_wait3A_790] : memref<2x64x768xf32, #tpu.memory_space<vmem>> -> memref<1x64x768xf32, #tpu.memory_space<vmem>>
    %dma_wait3A_792 = tpu.memref_squeeze %dma_wait3A_791 : memref<1x64x768xf32, #tpu.memory_space<vmem>> -> memref<64x768xf32, #tpu.memory_space<vmem>>
    %dma_wait3A_793 = arith.constant 0 : i32
    %dma_wait3A_794 = tpu.memref_slice %arg5[%dma_wait3A_788, %dma_wait3A_793] : memref<8x64xi32, #tpu.memory_space<vmem>> -> memref<1x64xi32, #tpu.memory_space<vmem>>
    %dma_wait3A_795 = tpu.memref_squeeze %dma_wait3A_794 : memref<1x64xi32, #tpu.memory_space<vmem>> -> memref<64xi32, #tpu.memory_space<vmem>>
    %dma_wait3A_796 = arith.constant 0 : i32
    %dma_wait3A_797 = arith.constant 0 : i32
    %dma_wait3A_798 = tpu.memref_slice %arg3[%dma_wait3A_796, %dma_wait3A_797] : memref<32768x768xf32, #tpu.memory_space<hbm>> -> memref<32768x768xf32, #tpu.memory_space<hbm>>
    tpu.wait_indirect_dma semaphore(%arg8 : memref<!tpu.dma_semaphore, #tpu.memory_space<semaphore_mem>>) src(%dma_wait3A_792 : memref<64x768xf32, #tpu.memory_space<vmem>>) dst(%dma_wait3A_798 : memref<32768x768xf32, #tpu.memory_space<hbm>>)
    %dma_wait3A_799 = arith.constant 1 : i32
    %dma_wait3A_800 = arith.constant 0 : i32
    %dma_wait3A_801 = arith.constant 0 : i32
    %dma_wait3A_802 = tpu.memref_slice %arg4[%dma_wait3A_799, %dma_wait3A_800, %dma_wait3A_801] : memref<2x64x768xf32, #tpu.memory_space<vmem>> -> memref<1x64x768xf32, #tpu.memory_space<vmem>>
    %dma_wait3A_803 = tpu.memref_squeeze %dma_wait3A_802 : memref<1x64x768xf32, #tpu.memory_space<vmem>> -> memref<64x768xf32, #tpu.memory_space<vmem>>
    %dma_wait3A_804 = arith.constant 0 : i32
    %dma_wait3A_805 = tpu.memref_slice %arg3[%add3A_594, %dma_wait3A_804] : memref<32768x768xf32, #tpu.memory_space<hbm>> -> memref<64x768xf32, #tpu.memory_space<hbm>>
    %dma_wait3A_806 = arith.constant 0 : i32
    %dma_wait3A_807 = tpu.memref_slice %arg3[%add3A_594, %dma_wait3A_806] : memref<32768x768xf32, #tpu.memory_space<hbm>> -> memref<64x768xf32, #tpu.memory_space<hbm>>
    %dma_wait3A_808 = arith.constant 0 : i32
    %dma_wait3A_809 = arith.constant 0 : i32
    %dma_wait3A_810 = tpu.memref_slice %arg4[%dma_wait3A_799, %dma_wait3A_808, %dma_wait3A_809] : memref<2x64x768xf32, #tpu.memory_space<vmem>> -> memref<1x64x768xf32, #tpu.memory_space<vmem>>
    %dma_wait3A_811 = tpu.memref_squeeze %dma_wait3A_810 : memref<1x64x768xf32, #tpu.memory_space<vmem>> -> memref<64x768xf32, #tpu.memory_space<vmem>>
    tpu.wait_dma2 semaphore(%arg8 : memref<!tpu.dma_semaphore, #tpu.memory_space<semaphore_mem>>) src(%dma_wait3A_811 : memref<64x768xf32, #tpu.memory_space<vmem>>) dst(%dma_wait3A_807 : memref<64x768xf32, #tpu.memory_space<hbm>>)
    %dma_wait3A_812 = arith.constant 1 : i32
    %dma_wait3A_813 = arith.constant 6 : i32
    %dma_wait3A_814 = arith.constant 0 : i32
    %dma_wait3A_815 = arith.constant 0 : i32
    %dma_wait3A_816 = tpu.memref_slice %arg4[%dma_wait3A_812, %dma_wait3A_814, %dma_wait3A_815] : memref<2x64x768xf32, #tpu.memory_space<vmem>> -> memref<1x64x768xf32, #tpu.memory_space<vmem>>
    %dma_wait3A_817 = tpu.memref_squeeze %dma_wait3A_816 : memref<1x64x768xf32, #tpu.memory_space<vmem>> -> memref<64x768xf32, #tpu.memory_space<vmem>>
    %dma_wait3A_818 = arith.constant 0 : i32
    %dma_wait3A_819 = tpu.memref_slice %arg5[%dma_wait3A_813, %dma_wait3A_818] : memref<8x64xi32, #tpu.memory_space<vmem>> -> memref<1x64xi32, #tpu.memory_space<vmem>>
    %dma_wait3A_820 = tpu.memref_squeeze %dma_wait3A_819 : memref<1x64xi32, #tpu.memory_space<vmem>> -> memref<64xi32, #tpu.memory_space<vmem>>
    %dma_wait3A_821 = arith.constant 0 : i32
    %dma_wait3A_822 = arith.constant 0 : i32
    %dma_wait3A_823 = tpu.memref_slice %arg3[%dma_wait3A_821, %dma_wait3A_822] : memref<32768x768xf32, #tpu.memory_space<hbm>> -> memref<32768x768xf32, #tpu.memory_space<hbm>>
    tpu.wait_indirect_dma semaphore(%arg8 : memref<!tpu.dma_semaphore, #tpu.memory_space<semaphore_mem>>) src(%dma_wait3A_817 : memref<64x768xf32, #tpu.memory_space<vmem>>) dst(%dma_wait3A_823 : memref<32768x768xf32, #tpu.memory_space<hbm>>)
    %dma_wait3A_824 = arith.constant 1 : i32
    %dma_wait3A_825 = arith.constant 0 : i32
    %dma_wait3A_826 = arith.constant 0 : i32
    %dma_wait3A_827 = tpu.memref_slice %arg4[%dma_wait3A_824, %dma_wait3A_825, %dma_wait3A_826] : memref<2x64x768xf32, #tpu.memory_space<vmem>> -> memref<1x64x768xf32, #tpu.memory_space<vmem>>
    %dma_wait3A_828 = tpu.memref_squeeze %dma_wait3A_827 : memref<1x64x768xf32, #tpu.memory_space<vmem>> -> memref<64x768xf32, #tpu.memory_space<vmem>>
    %dma_wait3A_829 = arith.constant 0 : i32
    %dma_wait3A_830 = tpu.memref_slice %arg3[%add3A_621, %dma_wait3A_829] : memref<32768x768xf32, #tpu.memory_space<hbm>> -> memref<64x768xf32, #tpu.memory_space<hbm>>
    %dma_wait3A_831 = arith.constant 0 : i32
    %dma_wait3A_832 = tpu.memref_slice %arg3[%add3A_621, %dma_wait3A_831] : memref<32768x768xf32, #tpu.memory_space<hbm>> -> memref<64x768xf32, #tpu.memory_space<hbm>>
    %dma_wait3A_833 = arith.constant 0 : i32
    %dma_wait3A_834 = arith.constant 0 : i32
    %dma_wait3A_835 = tpu.memref_slice %arg4[%dma_wait3A_824, %dma_wait3A_833, %dma_wait3A_834] : memref<2x64x768xf32, #tpu.memory_space<vmem>> -> memref<1x64x768xf32, #tpu.memory_space<vmem>>
    %dma_wait3A_836 = tpu.memref_squeeze %dma_wait3A_835 : memref<1x64x768xf32, #tpu.memory_space<vmem>> -> memref<64x768xf32, #tpu.memory_space<vmem>>
    tpu.wait_dma2 semaphore(%arg8 : memref<!tpu.dma_semaphore, #tpu.memory_space<semaphore_mem>>) src(%dma_wait3A_836 : memref<64x768xf32, #tpu.memory_space<vmem>>) dst(%dma_wait3A_832 : memref<64x768xf32, #tpu.memory_space<hbm>>)
    %dma_wait3A_837 = arith.constant 1 : i32
    %dma_wait3A_838 = arith.constant 7 : i32
    %dma_wait3A_839 = arith.constant 0 : i32
    %dma_wait3A_840 = arith.constant 0 : i32
    %dma_wait3A_841 = tpu.memref_slice %arg4[%dma_wait3A_837, %dma_wait3A_839, %dma_wait3A_840] : memref<2x64x768xf32, #tpu.memory_space<vmem>> -> memref<1x64x768xf32, #tpu.memory_space<vmem>>
    %dma_wait3A_842 = tpu.memref_squeeze %dma_wait3A_841 : memref<1x64x768xf32, #tpu.memory_space<vmem>> -> memref<64x768xf32, #tpu.memory_space<vmem>>
    %dma_wait3A_843 = arith.constant 0 : i32
    %dma_wait3A_844 = tpu.memref_slice %arg5[%dma_wait3A_838, %dma_wait3A_843] : memref<8x64xi32, #tpu.memory_space<vmem>> -> memref<1x64xi32, #tpu.memory_space<vmem>>
    %dma_wait3A_845 = tpu.memref_squeeze %dma_wait3A_844 : memref<1x64xi32, #tpu.memory_space<vmem>> -> memref<64xi32, #tpu.memory_space<vmem>>
    %dma_wait3A_846 = arith.constant 0 : i32
    %dma_wait3A_847 = arith.constant 0 : i32
    %dma_wait3A_848 = tpu.memref_slice %arg3[%dma_wait3A_846, %dma_wait3A_847] : memref<32768x768xf32, #tpu.memory_space<hbm>> -> memref<32768x768xf32, #tpu.memory_space<hbm>>
    tpu.wait_indirect_dma semaphore(%arg8 : memref<!tpu.dma_semaphore, #tpu.memory_space<semaphore_mem>>) src(%dma_wait3A_842 : memref<64x768xf32, #tpu.memory_space<vmem>>) dst(%dma_wait3A_848 : memref<32768x768xf32, #tpu.memory_space<hbm>>)
    return
  }
}

</mosaic_0001>

<sc_bundles>
// kernel: kernel.3.cloned.1.call-start
scs
__scs_entry_jumppad:
0x0: {  	(pc) =	sbr.rel $0x88, $3  }
0x1: {  	(tag) =	ssettag $0x0;
	lr =	simm.s32 $0x1  }
0x2: {  	[smem:$0x3FA0] =	sst lr;
	_ =	strace $0xD0000000  }
0x3: {  	_ = 	snop  }
0x4: {  	_ = 	snop  }
0x5: {  	_ = 	snop  }
0x6: {  	_ = 	snop  }
0x7: {  	_ = 	snop  }
__scs_overlays_trampoline_lowered:
0x8: {  	[smem:$0x3FAF] =	sst s0  }
0x9: {  	[smem:$0x3FB0] =	sst s1  }
0xa: {  	[smem:$0x3FB1] =	sst s2  }
0xb: {  	[smem:$0x3FB2] =	sst s3  }
0xc: {  	[smem:$0x3FB3] =	sst s4  }
0xd: {  	[smem:$0x3FB4] =	sst s5  }
0xe: {  	[smem:$0x3FB5] =	sst s6  }
0xf: {  	[smem:$0x3FB6] =	sst s7  }
0x10: {  	[smem:$0x3FB7] =	sst s8  }
0x11: {  	[smem:$0x3FB8] =	sst s9;
	s0 =	simm.s32 @!p0 $0x0  }
0x12: {  	s1 =	sld [smem:$0x3F9E];
	s0 =	simm.s32 @p0 $0x1  }
0x13: {  	[smem:$0x3FB9] =	sst s0;
	s0 =	simm.s32 @!p1 $0x0  }
0x14: {  	s2 =	sld [smem:$0x3F9D];
	s0 =	simm.s32 @p1 $0x1  }
0x15: {  	[smem:$0x3FBA] =	sst s0;
	s0 =	simm.s32 @!p2 $0x0  }
0x16: {  	s3 =	sld [smem:$0x3FDB];
	s0 =	simm.s32 @p2 $0x1  }
0x17: {  	s4 =	simm.s32 $0x1BF5;
	[smem:$0x3FBC] =	sst s0  }
0x18: {  	s0 =	sld [smem:$0x3F9F];
	_ =	swait.ge [sflag:s4], $0x0  }
0x19: {  	s7 =	sld [smem:$0x3FA0]  }
0x1a: {  	s8 =	sadd.s32 $0xFFFFE003, lr  }
0x1b: {  	s9 =	sadd.s32 $0xFFFFFEF7, lr;
	s5 =	simm.s32 $0xFFFFFFFF;
	p2 =	slt.u32 s8, $0xFFFFF086  }
0x1c: {  	p1 =	slt.u32 s9, $0xF7A;
	s5 =	simm.s32 @!p2 $0x0  }
0x1d: {  	s5 =	simm.s32 @p1 $0x1;
	p0 =	seq.s32 s7, s2  }
0x1e: {  	s7 =	smul.u32 @!p0 $0xF7A, s2;
	p2 =	seq.s32 @!p0 s5, $0x0  }
0x1f: {  	s9 =	smul.u32 $0xF7A, s1;
	s8 =	simm.s32 @!p0 $0x1BF5;
	p2 =	por !p2, p0  }
0x20: {  	[sflag:s8] =	ssyncset.s32 @!p0 $0xFFFFF086;
	s6 =	sadd.s32 @!p0 s3, s7;
	s7 =	simm.s32 @!p0 $0x108  }
0x21: {  	s3 =	sadd.s32 s3, s9;
	s6 =	sadd.s32 @!p0 $0x88, s6;
	s7 =	simm.s32 @p2 $0x1082  }
0x22: {  	[simem:s7], [sflag:s8] =	dma.local @!p0 [hbm:s6], $0xF7A  }
0x23: {  	s9 =	sor.u32 $0xD0000000, s2;
	s6 =	simm.s32 $0x108;
	_ =	swait.ge @!p0 [sflag:s8], $0x0  }
0x24: {  	s3 =	sadd.s32 $0x88, s3;
	s6 =	simm.s32 @!p1 $0x1082;
	[sflag:s4] =	ssyncset.s32 $0xFFFFF086  }
0x25: {  	[simem:s6], [sflag:s4] =	dma.local [hbm:s3], $0xF7A  }
0x26: {  	[smem:$0x3FA0] =	sst s1;
	(tag) =	ssettag s2;
	_ =	strace s9  }
0x27: {  	s1 =	sld [smem:$0x3FB0]  }
0x28: {  	s2 =	sld [smem:$0x3FB1]  }
0x29: {  	s4 =	sld [smem:$0x3FB3]  }
0x2a: {  	p0 =	seq.s32 s5, $0x0;
	s5 =	sld [smem:$0x3FB4]  }
0x2b: {  	s6 =	sld [smem:$0x3FB5]  }
0x2c: {  	s7 =	sld [smem:$0x3FB6]  }
0x2d: {  	s3 =	simm.s32 $0x108;
	s8 =	sld [smem:$0x3FB7]  }
0x2e: {  	s3 =	simm.s32 @!p0 $0x1082;
	s9 =	sld [smem:$0x3FB8]  }
0x2f: {  	lr =	sadd.s32 s0, s3;
	s0 =	sld [smem:$0x3FAF]  }
0x30: {  	s3 =	sld [smem:$0x3FB2]  }
0x31: {  	[smem:$0x3FBB] =	sst s10  }
0x32: {  	s10 =	sld [smem:$0x3FB9];
	_ =	sdelay $0x3  }
0x33: {  	p0 =	seq.s32 s10, $0x1;
	s10 =	sld [smem:$0x3FBB];
	_ =	sdelay $0x3  }
0x34: {  	[smem:$0x3FBB] =	sst s10  }
0x35: {  	s10 =	sld [smem:$0x3FBA];
	_ =	sdelay $0x3  }
0x36: {  	p1 =	seq.s32 s10, $0x1;
	s10 =	sld [smem:$0x3FBB];
	_ =	sdelay $0x3  }
0x37: {  	[smem:$0x3FBB] =	sst s10  }
0x38: {  	s10 =	sld [smem:$0x3FBC]  }
0x39: {  	_ = 	snop;
	(pc) =	sbr.ind lr, $3  }
0x3a: {  	_ = 	snop  }
0x3b: {  	_ = 	snop  }
0x3c: {  	p2 =	seq.s32 s10, $0x1;
	s10 =	sld [smem:$0x3FBB]  }
0x3d: {  	_ =	shalt  }
0x3e: {  	_ =	shalt  }
0x3f: {  	_ =	shalt  }
0x40: {  	_ =	shalt  }
0x41: {  	_ =	shalt  }
0x42: {  	_ =	shalt  }
0x43: {  	_ =	shalt  }
0x44: {  	_ =	shalt  }
0x45: {  	_ =	shalt  }
0x46: {  	_ =	shalt  }
0x47: {  	_ =	shalt  }
0x48: {  	_ =	shalt  }
0x49: {  	_ =	shalt  }
0x4a: {  	_ =	shalt  }
0x4b: {  	_ =	shalt  }
0x4c: {  	_ =	shalt  }
0x4d: {  	_ =	shalt  }
0x4e: {  	_ =	shalt  }
0x4f: {  	_ =	shalt  }
0x50: {  	_ =	shalt  }
0x51: {  	_ =	shalt  }
0x52: {  	_ =	shalt  }
0x53: {  	_ =	shalt  }
0x54: {  	_ =	shalt  }
0x55: {  	_ =	shalt  }
0x56: {  	_ =	shalt  }
0x57: {  	_ =	shalt  }
0x58: {  	_ =	shalt  }
0x59: {  	_ =	shalt  }
0x5a: {  	_ =	shalt  }
0x5b: {  	_ =	shalt  }
0x5c: {  	_ =	shalt  }
0x5d: {  	_ =	shalt  }
0x5e: {  	_ =	shalt  }
0x5f: {  	_ =	shalt  }
0x60: {  	_ =	shalt  }
0x61: {  	_ =	shalt  }
0x62: {  	_ =	shalt  }
0x63: {  	_ =	shalt  }
0x64: {  	_ =	shalt  }
0x65: {  	_ =	shalt  }
0x66: {  	_ =	shalt  }
0x67: {  	_ =	shalt  }
0x68: {  	_ =	shalt  }
0x69: {  	_ =	shalt  }
0x6a: {  	_ =	shalt  }
0x6b: {  	_ =	shalt  }
0x6c: {  	_ =	shalt  }
0x6d: {  	_ =	shalt  }
0x6e: {  	_ =	shalt  }
0x6f: {  	_ =	shalt  }
0x70: {  	_ =	shalt  }
0x71: {  	_ =	shalt  }
0x72: {  	_ =	shalt  }
0x73: {  	_ =	shalt  }
0x74: {  	_ =	shalt  }
0x75: {  	_ =	shalt  }
0x76: {  	_ =	shalt  }
0x77: {  	_ =	shalt  }
0x78: {  	_ =	shalt  }
0x79: {  	_ =	shalt  }
0x7a: {  	_ =	shalt  }
0x7b: {  	_ =	shalt  }
0x7c: {  	_ =	shalt  }
0x7d: {  	_ =	shalt  }
0x7e: {  	_ =	shalt  }
0x7f: {  	_ =	shalt  }
0x80: {  	_ =	shalt  }
0x81: {  	_ =	shalt  }
0x82: {  	_ =	shalt  }
0x83: {  	_ =	shalt  }
0x84: {  	_ =	shalt  }
0x85: {  	_ =	shalt  }
0x86: {  	_ =	shalt  }
0x87: {  	_ =	shalt  }
.Lfunc_end0:
.L_simem_size_0:
called_computation_lowered:
.L_overlay_start_0:
0x88: {  	s2 =	sld [smem:$0x3FD9]  }
0x89: {  	s3 =	sld [smem:$0x3FFE];
	_ =	sdelay $0x1  }
0x8a: {  	s1 =	srdreg.scid  }
0x8b: {  	s0 =	sand.u32 $0x1, s1  }
0x8c: {  	s18 =	sshll.u32 s0, $0xA;
	s2 =	sadd.s32 s3, s2  }
0x8d: {  	s2 =	sadd.s32 s2, s18  }
0x8e: {  	[smem:$0x3FC7] =	sst s2  }
0x8f: {  	_ = 	snop  }
0x90: {  	s2 =	sld [smem:$0x3FC9]  }
0x91: {  	s19 =	sld [smem:$0x3FD0];
	(tm) =	ssettm $0x1  }
0x92: {  	s4 =	sld [smem:$0x3FFB];
	_ =	sdelay $0x3  }
0x93: {  	_ =	strace s4  }
0x94: {  	s4 =	sld [smem:$0x3FFC];
	_ =	sdelay $0x3  }
0x95: {  	_ =	strace s4  }
0x96: {  	s4 =	sld [smem:$0x3FFD];
	_ =	sdelay $0x3  }
0x97: {  	_ =	strace s4  }
0x98: {  	_ =	strace $0x8FFFFFFF  }
0x99: {  	s20 =	sld [smem:$0x3FDB];
	_ =	sdelay $0x1  }
0x9a: {  	s5 =	simm.s32 $_scs_section_size  }
0x9b: {  	s6 =	simm.s32 $_size__tile_overlayer_lowered;
	s7 =	simm.s32 $_tile_overlayer_lowered  }
0x9c: {  	s23 =	simm.s32 $0x1BFF;
	s22 =	sshll.u32 s7, $0x1;
	s4 =	sadd.s32 s5, s20  }
0x9d: {  	s8 =	simm.s32 $0x0;
	s21 =	sshll.u32 s6, $0x1;
	s6 =	sadd.s32 s22, s4  }
0x9e: {  	[timem:s8], [sflag:s23] =	dma.local [hbm:s6], s21  }
0x9f: {  	_ =	swait.ge [sflag:s23], s21  }
0xa0: {  	s5 =	ssub.s32 $0x0, s21;
	[sflag:s23] =	ssyncset.done $0x0  }
0xa1: {  	[sflag:s23] =	ssyncadd.s32 s5;
	_ =	sdelay $0x1  }
0xa2: {  	s24 =	simm.s32 $0x1B8B  }
0xa3: {  	_ =	swait.ge [sflag:s24], $0x1  }
0xa4: {  	[sflag:s24] =	ssyncset.done $0x0  }
0xa5: {  	s25 =	simm.s32 $0x1B8E;
	[sflag:s24] =	ssyncadd.s32 $0xFFFFFFFF  }
0xa6: {  	s26 =	simm.s32 $execute0_lowered;
	[smem:$0x3FD2] =	sst s25  }
0xa7: {  	s5 =	sshll.u32 s26, $0x1;
	_ =	strace $0x80000046;
	[dreg:$0x1] =	wrdreg $0xFFFFFFFF  }
0xa8: {  	s28 =	simm.s32 $_size_execute0_lowered;
	s4 =	sadd.s32 s4, s5;
	[dreg:$0x0] =	wrdreg $0x0  }
0xa9: {  	s5 =	sshll.u32 s28, $0x1;
	[dreg:$0x2] =	wrdreg s4  }
0xaa: {  	[dreg:$0x3] =	wrdreg s5  }
0xab: {  	[dreg:$0x4] =	wrdreg $0xC0  }
0xac: {  	_ =	task [dreg:s8], $0x5FFFF  }
0xad: {  	[dreg:$0x1] =	wrdreg $0xFFFFFFFF  }
0xae: {  	[dreg:$0x0] =	wrdreg $0x60  }
0xaf: {  	[dreg:$0x2] =	wrdreg s2  }
0xb0: {  	[dreg:$0x3] =	wrdreg s19  }
0xb1: {  	[dreg:$0x4] =	wrdreg $0x9  }
0xb2: {  	_ =	task.clear_ibuf [dreg:s8], $0x5FFFF;
	_ =	strace $0x90000046  }
0xb3: {  	s29 =	simm.s32 $0x9;
	_ =	strace $0x80000048  }
0xb4: {  	_ =	swait.ge [sflag:s29], $0x1  }
0xb5: {  	[sflag:s29] =	ssyncadd.s32 $0xFFFFFFFF  }
0xb6: {  	_ =	strace $0x90000048  }
0xb7: {  	_ =	sfence  }
0xb8: {  	s30 =	sld [smem:$0x0];
	_ =	sdelay $0x2  }
0xb9: {  	s31 =	sshll.u32 s1, $0xD;
	s1 =	sshrl.u32 s1, $0x2  }
0xba: {  	s3 =	sand.u32 $0x4000, s31;
	s1 =	sadd.s32 s1, s30  }
0xbb: {  	s0 =	sor.u32 s3, s0;
	s1 =	sshll.u32 s1, $0x11  }
0xbc: {  	s0 =	sor.u32 s1, s0  }
0xbd: {  	s0 =	sadd.s32 $0x8F2B, s0  }
0xbe: {  	[sflag:s0] =	ssyncadd.remote.s32 $0x1  }
0xbf: {  	_ =	sfence.sel $0xFFFF  }
0xc0: {  	[dreg:$0x0] =	wrdreg $0xFFFFFFFF;
	(pc) =	sbr.abs _section_cstart, $3  }
0xc1: {  	[dreg:$0x1] =	wrdreg $0xFFFFFFFF  }
0xc2: {  	_ =	task.clear_ibuf [dreg:s8], $0x2FFFF;
	_ =	strace $0x9FFFFFFF  }
0xc3: {  	(tm) =	ssettm $0x7FFFFFFF  }
tec
execute0_lowered:
.L_overlay_start_1:
0x0: {  	(tag) =	ssettag $0x1  }
0x1: {  	s0 =	srdreg.scid;
	s2 =	stileid.u32  }
0x2: {  	s1 =	rddreg [dreg:$0x0];
	s0 =	sand.u32 $0x1, s0;
	s3 =	sshll.u32 s2, $0x1  }
0x3: {  	s2 =	rddreg [dreg:$0x1];
	s5 =	sor.u32 s0, s3  }
0x4: {  	s22 =	sadd.s32 $0x60000, s1;
	s3 =	simm.s32 $0x0;
	s6 =	smul.u32 $0x3000, s5  }
0x5: {  	s0 =	ssub.s32 $0x2, s0;
	s4 =	smul.u32 $0x18000, s5;
	[smem:$0x7FF] =	sst s3  }
0x6: {  	_ =	strace $0x80000047;
	[dreg:$0xd] =	wrdreg s22;
	s26 =	sadd.s32 s1, s6  }
0x7: {  	s30 =	sadd.s32 s6, s2;
	s6 =	sadd.s32 $0x240000, s2;
	[dreg:$0x3] =	wrdreg s26  }
0x8: {  	s7 =	sshrl.u32 s0, $0x1;
	s10 =	sadd.s32 $0x60000, s30;
	[dreg:$0x10] =	wrdreg s6  }
0x9: {  	s8 =	sshrl.u32 s4, $0x3;
	s12 =	sadd.s32 $0x120000, s30;
	[dreg:$0x5] =	wrdreg s10  }
0xa: {  	s4 =	ssub.s32 s0, s7;
	s15 =	sadd.s32 $0x1E0000, s30;
	[dreg:$0x6] =	wrdreg s12  }
0xb: {  	s28 =	sadd.s32 s1, s8;
	s16 =	sadd.s32 $0x2A0000, s30;
	[dreg:$0x7] =	wrdreg s15  }
0xc: {  	s8 =	sshll.u32 s5, $0x7;
	s19 =	sadd.s32 $0x61800, s30;
	[dreg:$0x8] =	wrdreg s16  }
0xd: {  	s20 =	sadd.s32 $0x121800, s30;
	s21 =	sadd.s32 $0x1E1800, s30;
	[dreg:$0x9] =	wrdreg s19  }
0xe: {  	s0 =	sadd.s32 $0x2A1800, s30;
	s30 =	sadd.s32 $0x180000, s2;
	[dreg:$0xa] =	wrdreg s20  }
0xf: {  	s29 =	sadd.s32 $0x1800, s28;
	s18 =	ssub.s32 $0x1000, s8;
	[dreg:$0xb] =	wrdreg s21  }
0x10: {  	s25 =	sxor.u32 $0xFF0, s8;
	s13 =	sxor.u32 $0xFE0, s8;
	[dreg:$0xc] =	wrdreg s0  }
0x11: {  	s24 =	sxor.u32 $0xFD0, s8;
	s7 =	ssub.s32 $0x3000, s8;
	[dreg:$0xf] =	wrdreg s30  }
0x12: {  	s9 =	sxor.u32 $0x2FF0, s8;
	s11 =	sxor.u32 $0x2FE0, s8;
	[dreg:$0x4] =	wrdreg s29  }
0x13: {  	s14 =	sxor.u32 $0x2FD0, s8;
	s23 =	ssub.s32 $0x5000, s8;
	[dreg:$0x12] =	wrdreg s7  }
0x14: {  	s17 =	sxor.u32 $0x4FF0, s8;
	s10 =	sxor.u32 $0x4FE0, s8;
	[dreg:$0x13] =	wrdreg s9  }
0x15: {  	v34 =	vlaneseq.u32;
	s19 =	sxor.u32 $0x4FD0, s8;
	s28 =	ssub.s32 $0x7000, s8;
	[dreg:$0x15] =	wrdreg s11  }
0x16: {  	vm0 =	vmmov $0xffff;
	v31 =	vmul.u32 $0xFFFFFFFF, v34;
	s26 =	sxor.u32 $0x6FF0, s8;
	s6 =	sxor.u32 $0x6FB0, s8;
	[dreg:$0x14] =	wrdreg s14  }
0x17: {  	v32 =	vand.u32 $0x7, v34;
	v33 =	vshrl.u32 v34, $0x3;
	v34 =	vor.u32 $0x8, v34;
	s0 =	sxor.u32 $0x6FD0, s8;
	s29 =	sadd.s32 $0xC0000, s2;
	[dreg:$0x17] =	wrdreg s6  }
0x18: {  	v33 =	vmul.u32 $0x8, v33;
	s12 =	sxor.u32 $0xFC0, s8;
	s7 =	sxor.u32 $0x6FC0, s8;
	v0 =	vadd.s32 s18, v31;
	v1 =	vadd.s32 s25, v31;
	[dreg:$0xe] =	wrdreg s29  }
0x19: {  	s1 =	sxor.u32 $0xFA0, s8;
	s16 =	sxor.u32 $0xF90, s8;
	v2 =	vadd.s32 s13, v31;
	v3 =	vadd.s32 s24, v31;
	v8 =	vadd.s32 s23, v31;
	[dreg:$0x16] =	wrdreg s7  }
0x1a: {  	s15 =	sxor.u32 $0x2FB0, s8;
	s30 =	sxor.u32 $0x2F90, s8;
	v9 =	vadd.s32 s17, v31;
	v10 =	vadd.s32 s10, v31;
	v11 =	vadd.s32 s19, v31;
	s13 =	rddreg [dreg:$0x12]  }
0x1b: {  	s31 =	sxor.u32 $0x4FC0, s8;
	s20 =	sxor.u32 $0x4FB0, s8;
	v12 =	vadd.s32 s28, v31;
	v13 =	vadd.s32 s26, v31;
	v15 =	vadd.s32 s0, v31;
	s18 =	rddreg [dreg:$0x13]  }
0x1c: {  	s21 =	sxor.u32 $0x4FA0, s8;
	s22 =	sxor.u32 $0x4F90, s8;
	v16 =	vadd.s32 s12, v31;
	v18 =	vadd.s32 s1, v31;
	v19 =	vadd.s32 s16, v31;
	s24 =	rddreg [dreg:$0x15]  }
0x1d: {  	s9 =	sxor.u32 $0x6FE0, s8;
	v21 =	vadd.s32 s15, v31;
	v23 =	vadd.s32 s30, v31;
	v24 =	vadd.s32 s31, v31;
	s7 =	sxor.u32 $0x6FA0, s8;
	s25 =	rddreg [dreg:$0x14]  }
0x1e: {  	s11 =	sxor.u32 $0xFB0, s8;
	s14 =	sxor.u32 $0x2FC0, s8;
	v25 =	vadd.s32 s20, v31;
	v26 =	vadd.s32 s21, v31;
	v27 =	vadd.s32 s22, v31;
	[dreg:$0x18] =	wrdreg s7  }
0x1f: {  	s29 =	sxor.u32 $0x2FA0, s8;
	v14 =	vadd.s32 s9, v31;
	v17 =	vadd.s32 s11, v31;
	v20 =	vadd.s32 s14, v31;
	s28 =	rddreg [dreg:$0x16]  }
0x20: {  	p0 =	sne.s32 s5, $0x0;
	s4 =	smax.u32 s4, $0x1;
	v4 =	vadd.s32 s13, v31;
	v5 =	vadd.s32 s18, v31;
	v22 =	vadd.s32 s29, v31;
	s29 =	rddreg [dreg:$0x17]  }
0x21: {  	s5 =	sadd.s32 $0x100, s2;
	s7 =	sxor.u32 $0x6F90, s8;
	v6 =	vadd.s32 s24, v31;
	v7 =	vadd.s32 s25, v31;
	v28 =	vadd.s32 s28, v31;
	s30 =	rddreg [dreg:$0x18]  }
0x22: {  	s6 =	sadd.s32 $0x200, s2;
	s1 =	simm.s32 $0x2;
	s31 =	simm.s32 $0xB000;
	v29 =	vadd.s32 s29, v31;
	v30 =	vadd.s32 s30, v31;
	v31 =	vadd.s32 s7, v31  }
.LBB2_1:
0x23: {  	[dreg:$0x11] =	wrdreg s4  }
0x24: {  	s0 =	rddreg [dreg:$0x3]  }
0x25: {  	[tilespmem:s3], [sflag:$0x1] =	stream.linear.gather [hbm4b:s0+s3], $0xC000, $0x38;
	[tilespmem:$0x18700] =	vst v63  }
0x26: {  	s9 =	rddreg [dreg:$0x4];
	s4 =	simm.s32 $0xC000  }
0x27: {  	[tilespmem:s4], [sflag:$0x1] =	stream.linear.gather [hbm4b:s9+s3], $0xC000, $0x38;
	[tilespmem:$0x18700] =	vst v63  }
0x28: {  	[tilespmem:$0x18000] =	vst v0  }
0x29: {  	[tilespmem:$0x18010] =	vst v1  }
0x2a: {  	[tilespmem:$0x18020] =	vst v2  }
0x2b: {  	[tilespmem:$0x18030] =	vst v3  }
0x2c: {  	[tilespmem:$0x18080] =	vst v4  }
0x2d: {  	[tilespmem:$0x18090] =	vst v5  }
0x2e: {  	[tilespmem:$0x180A0] =	vst v6  }
0x2f: {  	[tilespmem:$0x180B0] =	vst v7  }
0x30: {  	[tilespmem:$0x18100] =	vst v8  }
0x31: {  	[tilespmem:$0x18110] =	vst v9  }
0x32: {  	[tilespmem:$0x18120] =	vst v10  }
0x33: {  	[tilespmem:$0x18130] =	vst v11  }
0x34: {  	[tilespmem:$0x18180] =	vst v12  }
0x35: {  	[tilespmem:$0x18190] =	vst v13  }
0x36: {  	[tilespmem:$0x181A0] =	vst v14  }
0x37: {  	[tilespmem:$0x181B0] =	vst v15  }
0x38: {  	[tilespmem:$0x18200] =	vst v16  }
0x39: {  	[tilespmem:$0x18210] =	vst v17  }
0x3a: {  	[tilespmem:$0x18220] =	vst v18  }
0x3b: {  	[tilespmem:$0x18230] =	vst v19  }
0x3c: {  	[tilespmem:$0x18280] =	vst v20  }
0x3d: {  	[tilespmem:$0x18290] =	vst v21  }
0x3e: {  	[tilespmem:$0x182A0] =	vst v22  }
0x3f: {  	[tilespmem:$0x182B0] =	vst v23  }
0x40: {  	[tilespmem:$0x18300] =	vst v24  }
0x41: {  	[tilespmem:$0x18310] =	vst v25  }
0x42: {  	[tilespmem:$0x18320] =	vst v26  }
0x43: {  	[tilespmem:$0x18330] =	vst v27  }
0x44: {  	[tilespmem:$0x18380] =	vst v28  }
0x45: {  	[tilespmem:$0x18390] =	vst v29  }
0x46: {  	[tilespmem:$0x183A0] =	vst v30  }
0x47: {  	s7 =	simm.s32 $0x1;
	[tilespmem:$0x183B0] =	vst v31  }
0x48: {  	_ =	swait.ge [sflag:s7], $0xC000  }
0x49: {  	[sflag:s7] =	ssyncset.done $0x0  }
0x4a: {  	s29 =	rddreg [dreg:$0x5];
	[sflag:s7] =	ssyncadd.s32 $0xFFFF4000  }
0x4b: {  	[hbm4b:s29+s3] =	stream.linear.scatter [tilespmem:s3], [sflag:$0x2], $0xC000, $0x38;
	[tilespmem:$0x18700] =	vst v63  }
0x4c: {  	v35 =	vld [tilespmem:$0x18000];
	_ =	sdelay $0x4  }
0x4d: {  	v36 =	vshrl.u32 v35, $0x3  }
0x4e: {  	v36 =	vmul.u32 $0x30, v36  }
0x4f: {  	v35 =	vand.u32 $0x7, v35  }
0x50: {  	v35 =	vor.u32 v35, v36  }
0x51: {  	v36 =	vperm.xlane v35, v32;
	_ =	sdelay $0x1  }
0x52: {  	v36 =	vadd.s32 v33, v36;
	_ =	sdelay $0x3  }
0x53: {  	v35 =	vperm.xlane v35, v34  }
0x54: {  	[hbm4b:s2+s3] =	stream.indirect_vreg.scatter [tilespmem:s3], [sflag:$0x2], $0x80, v36, vm0, $0xb8;
	[tilespmem:$0x18700] =	vst v63  }
0x55: {  	s9 =	simm.s32 $0x800;
	v35 =	vadd.s32 v33, v35  }
0x56: {  	[hbm4b:s5+s3] =	stream.indirect_vreg.scatter [tilespmem:s9], [sflag:$0x2], $0x80, v36, vm0, $0xb8;
	[tilespmem:$0x18700] =	vst v63  }
0x57: {  	s10 =	simm.s32 $0x1000  }
0x58: {  	[hbm4b:s6+s3] =	stream.indirect_vreg.scatter [tilespmem:s10], [sflag:$0x2], $0x80, v36, vm0, $0xb8;
	[tilespmem:$0x18700] =	vst v63  }
0x59: {  	s11 =	simm.s32 $0x1800  }
0x5a: {  	[hbm4b:s2+s3] =	stream.indirect_vreg.scatter [tilespmem:s11], [sflag:$0x2], $0x80, v35, vm0, $0xb8;
	[tilespmem:$0x18700] =	vst v63  }
0x5b: {  	s12 =	simm.s32 $0x2000  }
0x5c: {  	[hbm4b:s5+s3] =	stream.indirect_vreg.scatter [tilespmem:s12], [sflag:$0x2], $0x80, v35, vm0, $0xb8;
	[tilespmem:$0x18700] =	vst v63  }
0x5d: {  	s13 =	simm.s32 $0x2800  }
0x5e: {  	[hbm4b:s6+s3] =	stream.indirect_vreg.scatter [tilespmem:s13], [sflag:$0x2], $0x80, v35, vm0, $0xb8;
	[tilespmem:$0x18700] =	vst v63  }
0x5f: {  	v35 =	vld [tilespmem:$0x18010];
	_ =	sdelay $0x4  }
0x60: {  	v56 =	vshrl.u32 v35, $0x3  }
0x61: {  	v36 =	vmul.u32 $0x30, v56  }
0x62: {  	v35 =	vand.u32 $0x7, v35  }
0x63: {  	v35 =	vor.u32 v35, v36  }
0x64: {  	v36 =	vperm.xlane v35, v32;
	_ =	sdelay $0x1  }
0x65: {  	v36 =	vadd.s32 v33, v36;
	_ =	sdelay $0x3  }
0x66: {  	s14 =	simm.s32 $0x3000;
	v35 =	vperm.xlane v35, v34  }
0x67: {  	[hbm4b:s2+s3] =	stream.indirect_vreg.scatter [tilespmem:s14], [sflag:$0x2], $0x80, v36, vm0, $0xb8;
	[tilespmem:$0x18700] =	vst v63  }
0x68: {  	s15 =	simm.s32 $0x3800;
	v35 =	vadd.s32 v33, v35  }
0x69: {  	[hbm4b:s5+s3] =	stream.indirect_vreg.scatter [tilespmem:s15], [sflag:$0x2], $0x80, v36, vm0, $0xb8;
	[tilespmem:$0x18700] =	vst v63  }
0x6a: {  	s16 =	simm.s32 $0x4000  }
0x6b: {  	[hbm4b:s6+s3] =	stream.indirect_vreg.scatter [tilespmem:s16], [sflag:$0x2], $0x80, v36, vm0, $0xb8;
	[tilespmem:$0x18700] =	vst v63  }
0x6c: {  	s17 =	simm.s32 $0x4800  }
0x6d: {  	[hbm4b:s2+s3] =	stream.indirect_vreg.scatter [tilespmem:s17], [sflag:$0x2], $0x80, v35, vm0, $0xb8;
	[tilespmem:$0x18700] =	vst v63  }
0x6e: {  	s18 =	simm.s32 $0x5000  }
0x6f: {  	[hbm4b:s5+s3] =	stream.indirect_vreg.scatter [tilespmem:s18], [sflag:$0x2], $0x80, v35, vm0, $0xb8;
	[tilespmem:$0x18700] =	vst v63  }
0x70: {  	s19 =	simm.s32 $0x5800  }
0x71: {  	[hbm4b:s6+s3] =	stream.indirect_vreg.scatter [tilespmem:s19], [sflag:$0x2], $0x80, v35, vm0, $0xb8;
	[tilespmem:$0x18700] =	vst v63  }
0x72: {  	v35 =	vld [tilespmem:$0x18020];
	_ =	sdelay $0x4  }
0x73: {  	v57 =	vshrl.u32 v35, $0x3  }
0x74: {  	v36 =	vmul.u32 $0x30, v57  }
0x75: {  	v35 =	vand.u32 $0x7, v35  }
0x76: {  	v35 =	vor.u32 v35, v36  }
0x77: {  	v36 =	vperm.xlane v35, v32;
	_ =	sdelay $0x1  }
0x78: {  	v36 =	vadd.s32 v33, v36;
	_ =	sdelay $0x3  }
0x79: {  	s20 =	simm.s32 $0x6000;
	v35 =	vperm.xlane v35, v34  }
0x7a: {  	[hbm4b:s2+s3] =	stream.indirect_vreg.scatter [tilespmem:s20], [sflag:$0x2], $0x80, v36, vm0, $0xb8;
	[tilespmem:$0x18700] =	vst v63  }
0x7b: {  	s21 =	simm.s32 $0x6800;
	v35 =	vadd.s32 v33, v35  }
0x7c: {  	[hbm4b:s5+s3] =	stream.indirect_vreg.scatter [tilespmem:s21], [sflag:$0x2], $0x80, v36, vm0, $0xb8;
	[tilespmem:$0x18700] =	vst v63  }
0x7d: {  	s22 =	simm.s32 $0x7000  }
0x7e: {  	[hbm4b:s6+s3] =	stream.indirect_vreg.scatter [tilespmem:s22], [sflag:$0x2], $0x80, v36, vm0, $0xb8;
	[tilespmem:$0x18700] =	vst v63  }
0x7f: {  	s23 =	simm.s32 $0x7800  }
0x80: {  	[hbm4b:s2+s3] =	stream.indirect_vreg.scatter [tilespmem:s23], [sflag:$0x2], $0x80, v35, vm0, $0xb8;
	[tilespmem:$0x18700] =	vst v63  }
0x81: {  	s24 =	simm.s32 $0x8000  }
0x82: {  	[hbm4b:s5+s3] =	stream.indirect_vreg.scatter [tilespmem:s24], [sflag:$0x2], $0x80, v35, vm0, $0xb8;
	[tilespmem:$0x18700] =	vst v63  }
0x83: {  	s25 =	simm.s32 $0x8800  }
0x84: {  	[hbm4b:s6+s3] =	stream.indirect_vreg.scatter [tilespmem:s25], [sflag:$0x2], $0x80, v35, vm0, $0xb8;
	[tilespmem:$0x18700] =	vst v63  }
0x85: {  	v35 =	vld [tilespmem:$0x18030];
	_ =	sdelay $0x4  }
0x86: {  	v58 =	vshrl.u32 v35, $0x3  }
0x87: {  	v36 =	vmul.u32 $0x30, v58  }
0x88: {  	v35 =	vand.u32 $0x7, v35  }
0x89: {  	v35 =	vor.u32 v35, v36  }
0x8a: {  	v36 =	vperm.xlane v35, v32;
	_ =	sdelay $0x1  }
0x8b: {  	v36 =	vadd.s32 v33, v36;
	_ =	sdelay $0x3  }
0x8c: {  	s26 =	simm.s32 $0x9000;
	v35 =	vperm.xlane v35, v34  }
0x8d: {  	[hbm4b:s2+s3] =	stream.indirect_vreg.scatter [tilespmem:s26], [sflag:$0x2], $0x80, v36, vm0, $0xb8;
	[tilespmem:$0x18700] =	vst v63  }
0x8e: {  	s28 =	simm.s32 $0x9800;
	v35 =	vadd.s32 v33, v35  }
0x8f: {  	[hbm4b:s5+s3] =	stream.indirect_vreg.scatter [tilespmem:s28], [sflag:$0x2], $0x80, v36, vm0, $0xb8;
	[tilespmem:$0x18700] =	vst v63  }
0x90: {  	s29 =	simm.s32 $0xA000  }
0x91: {  	[hbm4b:s6+s3] =	stream.indirect_vreg.scatter [tilespmem:s29], [sflag:$0x2], $0x80, v36, vm0, $0xb8;
	[tilespmem:$0x18700] =	vst v63  }
0x92: {  	s30 =	simm.s32 $0xA800  }
0x93: {  	[hbm4b:s2+s3] =	stream.indirect_vreg.scatter [tilespmem:s30], [sflag:$0x2], $0x80, v35, vm0, $0xb8;
	[tilespmem:$0x18700] =	vst v63  }
0x94: {  	_ = 	snop  }
0x95: {  	[hbm4b:s5+s3] =	stream.indirect_vreg.scatter [tilespmem:s31], [sflag:$0x2], $0x80, v35, vm0, $0xb8;
	[tilespmem:$0x18700] =	vst v63  }
0x96: {  	s8 =	simm.s32 $0xB800  }
0x97: {  	[hbm4b:s6+s3] =	stream.indirect_vreg.scatter [tilespmem:s8], [sflag:$0x2], $0x80, v35, vm0, $0xb8;
	[tilespmem:$0x18700] =	vst v63  }
0x98: {  	s0 =	rddreg [dreg:$0x6]  }
0x99: {  	[hbm4b:s0+s3] =	stream.linear.scatter [tilespmem:s3], [sflag:$0x2], $0xC000, $0x38;
	[tilespmem:$0x18700] =	vst v63  }
0x9a: {  	v35 =	vld [tilespmem:$0x18080];
	_ =	sdelay $0x4  }
0x9b: {  	v59 =	vshrl.u32 v35, $0x3  }
0x9c: {  	v36 =	vmul.u32 $0x30, v59  }
0x9d: {  	v35 =	vand.u32 $0x7, v35  }
0x9e: {  	v35 =	vor.u32 v35, v36  }
0x9f: {  	v36 =	vperm.xlane v35, v32;
	_ =	sdelay $0x1  }
0xa0: {  	v36 =	vadd.s32 v33, v36;
	_ =	sdelay $0x3  }
0xa1: {  	v35 =	vperm.xlane v35, v34  }
0xa2: {  	[hbm4b:s2+s3] =	stream.indirect_vreg.scatter [tilespmem:s3], [sflag:$0x2], $0x80, v36, vm0, $0xb8;
	[tilespmem:$0x18700] =	vst v63  }
0xa3: {  	v35 =	vadd.s32 v33, v35  }
0xa4: {  	[hbm4b:s5+s3] =	stream.indirect_vreg.scatter [tilespmem:s9], [sflag:$0x2], $0x80, v36, vm0, $0xb8;
	[tilespmem:$0x18700] =	vst v63  }
0xa5: {  	_ = 	snop  }
0xa6: {  	[hbm4b:s6+s3] =	stream.indirect_vreg.scatter [tilespmem:s10], [sflag:$0x2], $0x80, v36, vm0, $0xb8;
	[tilespmem:$0x18700] =	vst v63  }
0xa7: {  	_ = 	snop  }
0xa8: {  	[hbm4b:s2+s3] =	stream.indirect_vreg.scatter [tilespmem:s11], [sflag:$0x2], $0x80, v35, vm0, $0xb8;
	[tilespmem:$0x18700] =	vst v63  }
0xa9: {  	_ = 	snop  }
0xaa: {  	[hbm4b:s5+s3] =	stream.indirect_vreg.scatter [tilespmem:s12], [sflag:$0x2], $0x80, v35, vm0, $0xb8;
	[tilespmem:$0x18700] =	vst v63  }
0xab: {  	_ = 	snop  }
0xac: {  	[hbm4b:s6+s3] =	stream.indirect_vreg.scatter [tilespmem:s13], [sflag:$0x2], $0x80, v35, vm0, $0xb8;
	[tilespmem:$0x18700] =	vst v63  }
0xad: {  	v35 =	vld [tilespmem:$0x18090];
	_ =	sdelay $0x4  }
0xae: {  	v60 =	vshrl.u32 v35, $0x3  }
0xaf: {  	v36 =	vmul.u32 $0x30, v60  }
0xb0: {  	v35 =	vand.u32 $0x7, v35  }
0xb1: {  	v35 =	vor.u32 v35, v36  }
0xb2: {  	v36 =	vperm.xlane v35, v32;
	_ =	sdelay $0x1  }
0xb3: {  	v36 =	vadd.s32 v33, v36;
	_ =	sdelay $0x3  }
0xb4: {  	v35 =	vperm.xlane v35, v34  }
0xb5: {  	[hbm4b:s2+s3] =	stream.indirect_vreg.scatter [tilespmem:s14], [sflag:$0x2], $0x80, v36, vm0, $0xb8;
	[tilespmem:$0x18700] =	vst v63  }
0xb6: {  	v35 =	vadd.s32 v33, v35  }
0xb7: {  	[hbm4b:s5+s3] =	stream.indirect_vreg.scatter [tilespmem:s15], [sflag:$0x2], $0x80, v36, vm0, $0xb8;
	[tilespmem:$0x18700] =	vst v63  }
0xb8: {  	_ = 	snop  }
0xb9: {  	[hbm4b:s6+s3] =	stream.indirect_vreg.scatter [tilespmem:s16], [sflag:$0x2], $0x80, v36, vm0, $0xb8;
	[tilespmem:$0x18700] =	vst v63  }
0xba: {  	_ = 	snop  }
0xbb: {  	[hbm4b:s2+s3] =	stream.indirect_vreg.scatter [tilespmem:s17], [sflag:$0x2], $0x80, v35, vm0, $0xb8;
	[tilespmem:$0x18700] =	vst v63  }
0xbc: {  	_ = 	snop  }
0xbd: {  	[hbm4b:s5+s3] =	stream.indirect_vreg.scatter [tilespmem:s18], [sflag:$0x2], $0x80, v35, vm0, $0xb8;
	[tilespmem:$0x18700] =	vst v63  }
0xbe: {  	_ = 	snop  }
0xbf: {  	[hbm4b:s6+s3] =	stream.indirect_vreg.scatter [tilespmem:s19], [sflag:$0x2], $0x80, v35, vm0, $0xb8;
	[tilespmem:$0x18700] =	vst v63  }
0xc0: {  	v35 =	vld [tilespmem:$0x180A0];
	_ =	sdelay $0x4  }
0xc1: {  	v61 =	vshrl.u32 v35, $0x3  }
0xc2: {  	v36 =	vmul.u32 $0x30, v61  }
0xc3: {  	v35 =	vand.u32 $0x7, v35  }
0xc4: {  	v35 =	vor.u32 v35, v36  }
0xc5: {  	v36 =	vperm.xlane v35, v32;
	_ =	sdelay $0x1  }
0xc6: {  	v36 =	vadd.s32 v33, v36;
	_ =	sdelay $0x3  }
0xc7: {  	v35 =	vperm.xlane v35, v34  }
0xc8: {  	[hbm4b:s2+s3] =	stream.indirect_vreg.scatter [tilespmem:s20], [sflag:$0x2], $0x80, v36, vm0, $0xb8;
	[tilespmem:$0x18700] =	vst v63  }
0xc9: {  	v35 =	vadd.s32 v33, v35  }
0xca: {  	[hbm4b:s5+s3] =	stream.indirect_vreg.scatter [tilespmem:s21], [sflag:$0x2], $0x80, v36, vm0, $0xb8;
	[tilespmem:$0x18700] =	vst v63  }
0xcb: {  	_ = 	snop  }
0xcc: {  	[hbm4b:s6+s3] =	stream.indirect_vreg.scatter [tilespmem:s22], [sflag:$0x2], $0x80, v36, vm0, $0xb8;
	[tilespmem:$0x18700] =	vst v63  }
0xcd: {  	_ = 	snop  }
0xce: {  	[hbm4b:s2+s3] =	stream.indirect_vreg.scatter [tilespmem:s23], [sflag:$0x2], $0x80, v35, vm0, $0xb8;
	[tilespmem:$0x18700] =	vst v63  }
0xcf: {  	_ = 	snop  }
0xd0: {  	[hbm4b:s5+s3] =	stream.indirect_vreg.scatter [tilespmem:s24], [sflag:$0x2], $0x80, v35, vm0, $0xb8;
	[tilespmem:$0x18700] =	vst v63  }
0xd1: {  	_ = 	snop  }
0xd2: {  	[hbm4b:s6+s3] =	stream.indirect_vreg.scatter [tilespmem:s25], [sflag:$0x2], $0x80, v35, vm0, $0xb8;
	[tilespmem:$0x18700] =	vst v63  }
0xd3: {  	v35 =	vld [tilespmem:$0x180B0];
	_ =	sdelay $0x4  }
0xd4: {  	v62 =	vshrl.u32 v35, $0x3  }
0xd5: {  	v36 =	vmul.u32 $0x30, v62  }
0xd6: {  	v35 =	vand.u32 $0x7, v35  }
0xd7: {  	v35 =	vor.u32 v35, v36  }
0xd8: {  	v36 =	vperm.xlane v35, v32;
	_ =	sdelay $0x1  }
0xd9: {  	v36 =	vadd.s32 v33, v36;
	_ =	sdelay $0x3  }
0xda: {  	v35 =	vperm.xlane v35, v34  }
0xdb: {  	[hbm4b:s2+s3] =	stream.indirect_vreg.scatter [tilespmem:s26], [sflag:$0x2], $0x80, v36, vm0, $0xb8;
	[tilespmem:$0x18700] =	vst v63  }
0xdc: {  	v35 =	vadd.s32 v33, v35  }
0xdd: {  	[hbm4b:s5+s3] =	stream.indirect_vreg.scatter [tilespmem:s28], [sflag:$0x2], $0x80, v36, vm0, $0xb8;
	[tilespmem:$0x18700] =	vst v63  }
0xde: {  	_ = 	snop  }
0xdf: {  	[hbm4b:s6+s3] =	stream.indirect_vreg.scatter [tilespmem:s29], [sflag:$0x2], $0x80, v36, vm0, $0xb8;
	[tilespmem:$0x18700] =	vst v63  }
0xe0: {  	_ = 	snop  }
0xe1: {  	[hbm4b:s2+s3] =	stream.indirect_vreg.scatter [tilespmem:s30], [sflag:$0x2], $0x80, v35, vm0, $0xb8;
	[tilespmem:$0x18700] =	vst v63  }
0xe2: {  	_ = 	snop  }
0xe3: {  	[hbm4b:s5+s3] =	stream.indirect_vreg.scatter [tilespmem:s31], [sflag:$0x2], $0x80, v35, vm0, $0xb8;
	[tilespmem:$0x18700] =	vst v63  }
0xe4: {  	_ = 	snop  }
0xe5: {  	[hbm4b:s6+s3] =	stream.indirect_vreg.scatter [tilespmem:s8], [sflag:$0x2], $0x80, v35, vm0, $0xb8;
	[tilespmem:$0x18700] =	vst v63  }
0xe6: {  	s0 =	rddreg [dreg:$0x7]  }
0xe7: {  	[hbm4b:s0+s3] =	stream.linear.scatter [tilespmem:s3], [sflag:$0x2], $0xC000, $0x38;
	[tilespmem:$0x18700] =	vst v63  }
0xe8: {  	v35 =	vld [tilespmem:$0x18100];
	_ =	sdelay $0x4  }
0xe9: {  	v63 =	vshrl.u32 v35, $0x3  }
0xea: {  	v36 =	vmul.u32 $0x30, v63  }
0xeb: {  	v35 =	vand.u32 $0x7, v35  }
0xec: {  	v35 =	vor.u32 v35, v36  }
0xed: {  	v36 =	vperm.xlane v35, v32;
	_ =	sdelay $0x1  }
0xee: {  	v36 =	vadd.s32 v33, v36;
	_ =	sdelay $0x3  }
0xef: {  	v35 =	vperm.xlane v35, v34  }
0xf0: {  	[hbm4b:s2+s3] =	stream.indirect_vreg.scatter [tilespmem:s3], [sflag:$0x2], $0x80, v36, vm0, $0xb8;
	[tilespmem:$0x18700] =	vst v63  }
0xf1: {  	v35 =	vadd.s32 v33, v35  }
0xf2: {  	[hbm4b:s5+s3] =	stream.indirect_vreg.scatter [tilespmem:s9], [sflag:$0x2], $0x80, v36, vm0, $0xb8;
	[tilespmem:$0x18700] =	vst v63  }
0xf3: {  	_ = 	snop  }
0xf4: {  	[hbm4b:s6+s3] =	stream.indirect_vreg.scatter [tilespmem:s10], [sflag:$0x2], $0x80, v36, vm0, $0xb8;
	[tilespmem:$0x18700] =	vst v63  }
0xf5: {  	_ = 	snop  }
0xf6: {  	[hbm4b:s2+s3] =	stream.indirect_vreg.scatter [tilespmem:s11], [sflag:$0x2], $0x80, v35, vm0, $0xb8;
	[tilespmem:$0x18700] =	vst v63  }
0xf7: {  	_ = 	snop  }
0xf8: {  	[hbm4b:s5+s3] =	stream.indirect_vreg.scatter [tilespmem:s12], [sflag:$0x2], $0x80, v35, vm0, $0xb8;
	[tilespmem:$0x18700] =	vst v63  }
0xf9: {  	_ = 	snop  }
0xfa: {  	[hbm4b:s6+s3] =	stream.indirect_vreg.scatter [tilespmem:s13], [sflag:$0x2], $0x80, v35, vm0, $0xb8;
	[tilespmem:$0x18700] =	vst v63  }
0xfb: {  	v35 =	vld [tilespmem:$0x18110];
	_ =	sdelay $0x4  }
0xfc: {  	v40 =	vshrl.u32 v35, $0x3  }
0xfd: {  	v36 =	vmul.u32 $0x30, v40  }
0xfe: {  	v35 =	vand.u32 $0x7, v35  }
0xff: {  	v35 =	vor.u32 v35, v36  }
0x100: {  	v36 =	vperm.xlane v35, v32;
	_ =	sdelay $0x1  }
0x101: {  	v36 =	vadd.s32 v33, v36;
	_ =	sdelay $0x3  }
0x102: {  	v35 =	vperm.xlane v35, v34  }
0x103: {  	[hbm4b:s2+s3] =	stream.indirect_vreg.scatter [tilespmem:s14], [sflag:$0x2], $0x80, v36, vm0, $0xb8;
	[tilespmem:$0x18700] =	vst v63  }
0x104: {  	v35 =	vadd.s32 v33, v35  }
0x105: {  	[hbm4b:s5+s3] =	stream.indirect_vreg.scatter [tilespmem:s15], [sflag:$0x2], $0x80, v36, vm0, $0xb8;
	[tilespmem:$0x18700] =	vst v63  }
0x106: {  	_ = 	snop  }
0x107: {  	[hbm4b:s6+s3] =	stream.indirect_vreg.scatter [tilespmem:s16], [sflag:$0x2], $0x80, v36, vm0, $0xb8;
	[tilespmem:$0x18700] =	vst v63  }
0x108: {  	_ = 	snop  }
0x109: {  	[hbm4b:s2+s3] =	stream.indirect_vreg.scatter [tilespmem:s17], [sflag:$0x2], $0x80, v35, vm0, $0xb8;
	[tilespmem:$0x18700] =	vst v63  }
0x10a: {  	_ = 	snop  }
0x10b: {  	[hbm4b:s5+s3] =	stream.indirect_vreg.scatter [tilespmem:s18], [sflag:$0x2], $0x80, v35, vm0, $0xb8;
	[tilespmem:$0x18700] =	vst v63  }
0x10c: {  	_ = 	snop  }
0x10d: {  	[hbm4b:s6+s3] =	stream.indirect_vreg.scatter [tilespmem:s19], [sflag:$0x2], $0x80, v35, vm0, $0xb8;
	[tilespmem:$0x18700] =	vst v63  }
0x10e: {  	v35 =	vld [tilespmem:$0x18120];
	_ =	sdelay $0x4  }
0x10f: {  	v41 =	vshrl.u32 v35, $0x3  }
0x110: {  	v36 =	vmul.u32 $0x30, v41  }
0x111: {  	v35 =	vand.u32 $0x7, v35  }
0x112: {  	v35 =	vor.u32 v35, v36  }
0x113: {  	v36 =	vperm.xlane v35, v32;
	_ =	sdelay $0x1  }
0x114: {  	v36 =	vadd.s32 v33, v36;
	_ =	sdelay $0x3  }
0x115: {  	v35 =	vperm.xlane v35, v34  }
0x116: {  	[hbm4b:s2+s3] =	stream.indirect_vreg.scatter [tilespmem:s20], [sflag:$0x2], $0x80, v36, vm0, $0xb8;
	[tilespmem:$0x18700] =	vst v63  }
0x117: {  	v35 =	vadd.s32 v33, v35  }
0x118: {  	[hbm4b:s5+s3] =	stream.indirect_vreg.scatter [tilespmem:s21], [sflag:$0x2], $0x80, v36, vm0, $0xb8;
	[tilespmem:$0x18700] =	vst v63  }
0x119: {  	_ = 	snop  }
0x11a: {  	[hbm4b:s6+s3] =	stream.indirect_vreg.scatter [tilespmem:s22], [sflag:$0x2], $0x80, v36, vm0, $0xb8;
	[tilespmem:$0x18700] =	vst v63  }
0x11b: {  	_ = 	snop  }
0x11c: {  	[hbm4b:s2+s3] =	stream.indirect_vreg.scatter [tilespmem:s23], [sflag:$0x2], $0x80, v35, vm0, $0xb8;
	[tilespmem:$0x18700] =	vst v63  }
0x11d: {  	_ = 	snop  }
0x11e: {  	[hbm4b:s5+s3] =	stream.indirect_vreg.scatter [tilespmem:s24], [sflag:$0x2], $0x80, v35, vm0, $0xb8;
	[tilespmem:$0x18700] =	vst v63  }
0x11f: {  	_ = 	snop  }
0x120: {  	[hbm4b:s6+s3] =	stream.indirect_vreg.scatter [tilespmem:s25], [sflag:$0x2], $0x80, v35, vm0, $0xb8;
	[tilespmem:$0x18700] =	vst v63  }
0x121: {  	v35 =	vld [tilespmem:$0x18130];
	_ =	sdelay $0x4  }
0x122: {  	v42 =	vshrl.u32 v35, $0x3  }
0x123: {  	v36 =	vmul.u32 $0x30, v42  }
0x124: {  	v35 =	vand.u32 $0x7, v35  }
0x125: {  	v35 =	vor.u32 v35, v36  }
0x126: {  	v36 =	vperm.xlane v35, v32;
	_ =	sdelay $0x1  }
0x127: {  	v36 =	vadd.s32 v33, v36;
	_ =	sdelay $0x3  }
0x128: {  	v35 =	vperm.xlane v35, v34  }
0x129: {  	[hbm4b:s2+s3] =	stream.indirect_vreg.scatter [tilespmem:s26], [sflag:$0x2], $0x80, v36, vm0, $0xb8;
	[tilespmem:$0x18700] =	vst v63  }
0x12a: {  	v35 =	vadd.s32 v33, v35  }
0x12b: {  	[hbm4b:s5+s3] =	stream.indirect_vreg.scatter [tilespmem:s28], [sflag:$0x2], $0x80, v36, vm0, $0xb8;
	[tilespmem:$0x18700] =	vst v63  }
0x12c: {  	_ = 	snop  }
0x12d: {  	[hbm4b:s6+s3] =	stream.indirect_vreg.scatter [tilespmem:s29], [sflag:$0x2], $0x80, v36, vm0, $0xb8;
	[tilespmem:$0x18700] =	vst v63  }
0x12e: {  	_ = 	snop  }
0x12f: {  	[hbm4b:s2+s3] =	stream.indirect_vreg.scatter [tilespmem:s30], [sflag:$0x2], $0x80, v35, vm0, $0xb8;
	[tilespmem:$0x18700] =	vst v63  }
0x130: {  	_ = 	snop  }
0x131: {  	[hbm4b:s5+s3] =	stream.indirect_vreg.scatter [tilespmem:s31], [sflag:$0x2], $0x80, v35, vm0, $0xb8;
	[tilespmem:$0x18700] =	vst v63  }
0x132: {  	_ = 	snop  }
0x133: {  	[hbm4b:s6+s3] =	stream.indirect_vreg.scatter [tilespmem:s8], [sflag:$0x2], $0x80, v35, vm0, $0xb8;
	[tilespmem:$0x18700] =	vst v63  }
0x134: {  	s0 =	rddreg [dreg:$0x8]  }
0x135: {  	[hbm4b:s0+s3] =	stream.linear.scatter [tilespmem:s3], [sflag:$0x2], $0xC000, $0x38;
	[tilespmem:$0x18700] =	vst v63  }
0x136: {  	v35 =	vld [tilespmem:$0x18180];
	_ =	sdelay $0x4  }
0x137: {  	v43 =	vshrl.u32 v35, $0x3  }
0x138: {  	v36 =	vmul.u32 $0x30, v43  }
0x139: {  	v35 =	vand.u32 $0x7, v35  }
0x13a: {  	v35 =	vor.u32 v35, v36  }
0x13b: {  	v36 =	vperm.xlane v35, v32;
	_ =	sdelay $0x1  }
0x13c: {  	v36 =	vadd.s32 v33, v36;
	_ =	sdelay $0x3  }
0x13d: {  	v35 =	vperm.xlane v35, v34  }
0x13e: {  	[hbm4b:s2+s3] =	stream.indirect_vreg.scatter [tilespmem:s3], [sflag:$0x2], $0x80, v36, vm0, $0xb8;
	[tilespmem:$0x18700] =	vst v63  }
0x13f: {  	v35 =	vadd.s32 v33, v35  }
0x140: {  	[hbm4b:s5+s3] =	stream.indirect_vreg.scatter [tilespmem:s9], [sflag:$0x2], $0x80, v36, vm0, $0xb8;
	[tilespmem:$0x18700] =	vst v63  }
0x141: {  	_ = 	snop  }
0x142: {  	[hbm4b:s6+s3] =	stream.indirect_vreg.scatter [tilespmem:s10], [sflag:$0x2], $0x80, v36, vm0, $0xb8;
	[tilespmem:$0x18700] =	vst v63  }
0x143: {  	_ = 	snop  }
0x144: {  	[hbm4b:s2+s3] =	stream.indirect_vreg.scatter [tilespmem:s11], [sflag:$0x2], $0x80, v35, vm0, $0xb8;
	[tilespmem:$0x18700] =	vst v63  }
0x145: {  	_ = 	snop  }
0x146: {  	[hbm4b:s5+s3] =	stream.indirect_vreg.scatter [tilespmem:s12], [sflag:$0x2], $0x80, v35, vm0, $0xb8;
	[tilespmem:$0x18700] =	vst v63  }
0x147: {  	_ = 	snop  }
0x148: {  	[hbm4b:s6+s3] =	stream.indirect_vreg.scatter [tilespmem:s13], [sflag:$0x2], $0x80, v35, vm0, $0xb8;
	[tilespmem:$0x18700] =	vst v63  }
0x149: {  	v35 =	vld [tilespmem:$0x18190];
	_ =	sdelay $0x4  }
0x14a: {  	v44 =	vshrl.u32 v35, $0x3  }
0x14b: {  	v36 =	vmul.u32 $0x30, v44  }
0x14c: {  	v35 =	vand.u32 $0x7, v35  }
0x14d: {  	v35 =	vor.u32 v35, v36  }
0x14e: {  	v36 =	vperm.xlane v35, v32;
	_ =	sdelay $0x1  }
0x14f: {  	v36 =	vadd.s32 v33, v36;
	_ =	sdelay $0x3  }
0x150: {  	v35 =	vperm.xlane v35, v34  }
0x151: {  	[hbm4b:s2+s3] =	stream.indirect_vreg.scatter [tilespmem:s14], [sflag:$0x2], $0x80, v36, vm0, $0xb8;
	[tilespmem:$0x18700] =	vst v63  }
0x152: {  	v35 =	vadd.s32 v33, v35  }
0x153: {  	[hbm4b:s5+s3] =	stream.indirect_vreg.scatter [tilespmem:s15], [sflag:$0x2], $0x80, v36, vm0, $0xb8;
	[tilespmem:$0x18700] =	vst v63  }
0x154: {  	_ = 	snop  }
0x155: {  	[hbm4b:s6+s3] =	stream.indirect_vreg.scatter [tilespmem:s16], [sflag:$0x2], $0x80, v36, vm0, $0xb8;
	[tilespmem:$0x18700] =	vst v63  }
0x156: {  	_ = 	snop  }
0x157: {  	[hbm4b:s2+s3] =	stream.indirect_vreg.scatter [tilespmem:s17], [sflag:$0x2], $0x80, v35, vm0, $0xb8;
	[tilespmem:$0x18700] =	vst v63  }
0x158: {  	_ = 	snop  }
0x159: {  	[hbm4b:s5+s3] =	stream.indirect_vreg.scatter [tilespmem:s18], [sflag:$0x2], $0x80, v35, vm0, $0xb8;
	[tilespmem:$0x18700] =	vst v63  }
0x15a: {  	_ = 	snop  }
0x15b: {  	[hbm4b:s6+s3] =	stream.indirect_vreg.scatter [tilespmem:s19], [sflag:$0x2], $0x80, v35, vm0, $0xb8;
	[tilespmem:$0x18700] =	vst v63  }
0x15c: {  	v35 =	vld [tilespmem:$0x181A0];
	_ =	sdelay $0x4  }
0x15d: {  	v45 =	vshrl.u32 v35, $0x3  }
0x15e: {  	v36 =	vmul.u32 $0x30, v45  }
0x15f: {  	v35 =	vand.u32 $0x7, v35  }
0x160: {  	v35 =	vor.u32 v35, v36  }
0x161: {  	v36 =	vperm.xlane v35, v32;
	_ =	sdelay $0x1  }
0x162: {  	v36 =	vadd.s32 v33, v36;
	_ =	sdelay $0x3  }
0x163: {  	v35 =	vperm.xlane v35, v34  }
0x164: {  	[hbm4b:s2+s3] =	stream.indirect_vreg.scatter [tilespmem:s20], [sflag:$0x2], $0x80, v36, vm0, $0xb8;
	[tilespmem:$0x18700] =	vst v63  }
0x165: {  	v35 =	vadd.s32 v33, v35  }
0x166: {  	[hbm4b:s5+s3] =	stream.indirect_vreg.scatter [tilespmem:s21], [sflag:$0x2], $0x80, v36, vm0, $0xb8;
	[tilespmem:$0x18700] =	vst v63  }
0x167: {  	_ = 	snop  }
0x168: {  	[hbm4b:s6+s3] =	stream.indirect_vreg.scatter [tilespmem:s22], [sflag:$0x2], $0x80, v36, vm0, $0xb8;
	[tilespmem:$0x18700] =	vst v63  }
0x169: {  	_ = 	snop  }
0x16a: {  	[hbm4b:s2+s3] =	stream.indirect_vreg.scatter [tilespmem:s23], [sflag:$0x2], $0x80, v35, vm0, $0xb8;
	[tilespmem:$0x18700] =	vst v63  }
0x16b: {  	_ = 	snop  }
0x16c: {  	[hbm4b:s5+s3] =	stream.indirect_vreg.scatter [tilespmem:s24], [sflag:$0x2], $0x80, v35, vm0, $0xb8;
	[tilespmem:$0x18700] =	vst v63  }
0x16d: {  	_ = 	snop  }
0x16e: {  	[hbm4b:s6+s3] =	stream.indirect_vreg.scatter [tilespmem:s25], [sflag:$0x2], $0x80, v35, vm0, $0xb8;
	[tilespmem:$0x18700] =	vst v63  }
0x16f: {  	v35 =	vld [tilespmem:$0x181B0];
	_ =	sdelay $0x4  }
0x170: {  	v46 =	vshrl.u32 v35, $0x3  }
0x171: {  	v36 =	vmul.u32 $0x30, v46  }
0x172: {  	v35 =	vand.u32 $0x7, v35  }
0x173: {  	v35 =	vor.u32 v35, v36  }
0x174: {  	v36 =	vperm.xlane v35, v32;
	_ =	sdelay $0x1  }
0x175: {  	v36 =	vadd.s32 v33, v36;
	_ =	sdelay $0x3  }
0x176: {  	v35 =	vperm.xlane v35, v34  }
0x177: {  	[hbm4b:s2+s3] =	stream.indirect_vreg.scatter [tilespmem:s26], [sflag:$0x2], $0x80, v36, vm0, $0xb8;
	[tilespmem:$0x18700] =	vst v63  }
0x178: {  	v35 =	vadd.s32 v33, v35  }
0x179: {  	[hbm4b:s5+s3] =	stream.indirect_vreg.scatter [tilespmem:s28], [sflag:$0x2], $0x80, v36, vm0, $0xb8;
	[tilespmem:$0x18700] =	vst v63  }
0x17a: {  	_ = 	snop  }
0x17b: {  	[hbm4b:s6+s3] =	stream.indirect_vreg.scatter [tilespmem:s29], [sflag:$0x2], $0x80, v36, vm0, $0xb8;
	[tilespmem:$0x18700] =	vst v63  }
0x17c: {  	_ = 	snop  }
0x17d: {  	[hbm4b:s2+s3] =	stream.indirect_vreg.scatter [tilespmem:s30], [sflag:$0x2], $0x80, v35, vm0, $0xb8;
	[tilespmem:$0x18700] =	vst v63  }
0x17e: {  	_ = 	snop  }
0x17f: {  	[hbm4b:s5+s3] =	stream.indirect_vreg.scatter [tilespmem:s31], [sflag:$0x2], $0x80, v35, vm0, $0xb8;
	[tilespmem:$0x18700] =	vst v63  }
0x180: {  	_ = 	snop  }
0x181: {  	[hbm4b:s6+s3] =	stream.indirect_vreg.scatter [tilespmem:s8], [sflag:$0x2], $0x80, v35, vm0, $0xb8;
	[tilespmem:$0x18700] =	vst v63  }
0x182: {  	_ =	swait.ge [sflag:s7], $0xC000  }
0x183: {  	[sflag:s7] =	ssyncset.done $0x0  }
0x184: {  	s30 =	rddreg [dreg:$0x9];
	[sflag:s7] =	ssyncadd.s32 $0xFFFF4000  }
0x185: {  	[hbm4b:s30+s3] =	stream.linear.scatter [tilespmem:s4], [sflag:$0x2], $0xC000, $0x38;
	[tilespmem:$0x18700] =	vst v63  }
0x186: {  	v47 =	vld [tilespmem:$0x18200];
	_ =	sdelay $0x4  }
0x187: {  	v48 =	vshrl.u32 v47, $0x3  }
0x188: {  	v36 =	vmul.u32 $0x30, v48  }
0x189: {  	v35 =	vand.u32 $0x7, v47  }
0x18a: {  	v35 =	vor.u32 v35, v36  }
0x18b: {  	v36 =	vperm.xlane v35, v32;
	_ =	sdelay $0x1  }
0x18c: {  	v36 =	vadd.s32 v33, v36;
	_ =	sdelay $0x3  }
0x18d: {  	v35 =	vperm.xlane v35, v34  }
0x18e: {  	[hbm4b:s2+s3] =	stream.indirect_vreg.scatter [tilespmem:s4], [sflag:$0x2], $0x80, v36, vm0, $0xb8;
	[tilespmem:$0x18700] =	vst v63  }
0x18f: {  	s7 =	simm.s32 $0xC800;
	v35 =	vadd.s32 v33, v35  }
0x190: {  	[hbm4b:s5+s3] =	stream.indirect_vreg.scatter [tilespmem:s7], [sflag:$0x2], $0x80, v36, vm0, $0xb8;
	[tilespmem:$0x18700] =	vst v63  }
0x191: {  	s8 =	simm.s32 $0xD000  }
0x192: {  	[hbm4b:s6+s3] =	stream.indirect_vreg.scatter [tilespmem:s8], [sflag:$0x2], $0x80, v36, vm0, $0xb8;
	[tilespmem:$0x18700] =	vst v63  }
0x193: {  	s9 =	simm.s32 $0xD800  }
0x194: {  	[hbm4b:s2+s3] =	stream.indirect_vreg.scatter [tilespmem:s9], [sflag:$0x2], $0x80, v35, vm0, $0xb8;
	[tilespmem:$0x18700] =	vst v63  }
0x195: {  	s10 =	simm.s32 $0xE000  }
0x196: {  	[hbm4b:s5+s3] =	stream.indirect_vreg.scatter [tilespmem:s10], [sflag:$0x2], $0x80, v35, vm0, $0xb8;
	[tilespmem:$0x18700] =	vst v63  }
0x197: {  	s11 =	simm.s32 $0xE800  }
0x198: {  	[hbm4b:s6+s3] =	stream.indirect_vreg.scatter [tilespmem:s11], [sflag:$0x2], $0x80, v35, vm0, $0xb8;
	[tilespmem:$0x18700] =	vst v63  }
0x199: {  	v35 =	vld [tilespmem:$0x18210];
	_ =	sdelay $0x4  }
0x19a: {  	v49 =	vshrl.u32 v35, $0x3  }
0x19b: {  	v36 =	vmul.u32 $0x30, v49  }
0x19c: {  	v35 =	vand.u32 $0x7, v35  }
0x19d: {  	v35 =	vor.u32 v35, v36  }
0x19e: {  	v36 =	vperm.xlane v35, v32;
	_ =	sdelay $0x1  }
0x19f: {  	v36 =	vadd.s32 v33, v36;
	_ =	sdelay $0x3  }
0x1a0: {  	s12 =	simm.s32 $0xF000;
	v35 =	vperm.xlane v35, v34  }
0x1a1: {  	[hbm4b:s2+s3] =	stream.indirect_vreg.scatter [tilespmem:s12], [sflag:$0x2], $0x80, v36, vm0, $0xb8;
	[tilespmem:$0x18700] =	vst v63  }
0x1a2: {  	s13 =	simm.s32 $0xF800;
	v35 =	vadd.s32 v33, v35  }
0x1a3: {  	[hbm4b:s5+s3] =	stream.indirect_vreg.scatter [tilespmem:s13], [sflag:$0x2], $0x80, v36, vm0, $0xb8;
	[tilespmem:$0x18700] =	vst v63  }
0x1a4: {  	s14 =	simm.s32 $0x10000  }
0x1a5: {  	[hbm4b:s6+s3] =	stream.indirect_vreg.scatter [tilespmem:s14], [sflag:$0x2], $0x80, v36, vm0, $0xb8;
	[tilespmem:$0x18700] =	vst v63  }
0x1a6: {  	s15 =	simm.s32 $0x10800  }
0x1a7: {  	[hbm4b:s2+s3] =	stream.indirect_vreg.scatter [tilespmem:s15], [sflag:$0x2], $0x80, v35, vm0, $0xb8;
	[tilespmem:$0x18700] =	vst v63  }
0x1a8: {  	s16 =	simm.s32 $0x11000  }
0x1a9: {  	[hbm4b:s5+s3] =	stream.indirect_vreg.scatter [tilespmem:s16], [sflag:$0x2], $0x80, v35, vm0, $0xb8;
	[tilespmem:$0x18700] =	vst v63  }
0x1aa: {  	s17 =	simm.s32 $0x11800  }
0x1ab: {  	[hbm4b:s6+s3] =	stream.indirect_vreg.scatter [tilespmem:s17], [sflag:$0x2], $0x80, v35, vm0, $0xb8;
	[tilespmem:$0x18700] =	vst v63  }
0x1ac: {  	v35 =	vld [tilespmem:$0x18220];
	_ =	sdelay $0x4  }
0x1ad: {  	v50 =	vshrl.u32 v35, $0x3  }
0x1ae: {  	v36 =	vmul.u32 $0x30, v50  }
0x1af: {  	v35 =	vand.u32 $0x7, v35  }
0x1b0: {  	v35 =	vor.u32 v35, v36  }
0x1b1: {  	v36 =	vperm.xlane v35, v32;
	_ =	sdelay $0x1  }
0x1b2: {  	v36 =	vadd.s32 v33, v36;
	_ =	sdelay $0x3  }
0x1b3: {  	s18 =	simm.s32 $0x12000;
	v35 =	vperm.xlane v35, v34  }
0x1b4: {  	[hbm4b:s2+s3] =	stream.indirect_vreg.scatter [tilespmem:s18], [sflag:$0x2], $0x80, v36, vm0, $0xb8;
	[tilespmem:$0x18700] =	vst v63  }
0x1b5: {  	s19 =	simm.s32 $0x12800;
	v35 =	vadd.s32 v33, v35  }
0x1b6: {  	[hbm4b:s5+s3] =	stream.indirect_vreg.scatter [tilespmem:s19], [sflag:$0x2], $0x80, v36, vm0, $0xb8;
	[tilespmem:$0x18700] =	vst v63  }
0x1b7: {  	s20 =	simm.s32 $0x13000  }
0x1b8: {  	[hbm4b:s6+s3] =	stream.indirect_vreg.scatter [tilespmem:s20], [sflag:$0x2], $0x80, v36, vm0, $0xb8;
	[tilespmem:$0x18700] =	vst v63  }
0x1b9: {  	s21 =	simm.s32 $0x13800  }
0x1ba: {  	[hbm4b:s2+s3] =	stream.indirect_vreg.scatter [tilespmem:s21], [sflag:$0x2], $0x80, v35, vm0, $0xb8;
	[tilespmem:$0x18700] =	vst v63  }
0x1bb: {  	s22 =	simm.s32 $0x14000  }
0x1bc: {  	[hbm4b:s5+s3] =	stream.indirect_vreg.scatter [tilespmem:s22], [sflag:$0x2], $0x80, v35, vm0, $0xb8;
	[tilespmem:$0x18700] =	vst v63  }
0x1bd: {  	s23 =	simm.s32 $0x14800  }
0x1be: {  	[hbm4b:s6+s3] =	stream.indirect_vreg.scatter [tilespmem:s23], [sflag:$0x2], $0x80, v35, vm0, $0xb8;
	[tilespmem:$0x18700] =	vst v63  }
0x1bf: {  	v35 =	vld [tilespmem:$0x18230];
	_ =	sdelay $0x4  }
0x1c0: {  	v51 =	vshrl.u32 v35, $0x3  }
0x1c1: {  	v36 =	vmul.u32 $0x30, v51  }
0x1c2: {  	v35 =	vand.u32 $0x7, v35  }
0x1c3: {  	v35 =	vor.u32 v35, v36  }
0x1c4: {  	v36 =	vperm.xlane v35, v32;
	_ =	sdelay $0x1  }
0x1c5: {  	v36 =	vadd.s32 v33, v36;
	_ =	sdelay $0x3  }
0x1c6: {  	s24 =	simm.s32 $0x15000;
	v35 =	vperm.xlane v35, v34  }
0x1c7: {  	[hbm4b:s2+s3] =	stream.indirect_vreg.scatter [tilespmem:s24], [sflag:$0x2], $0x80, v36, vm0, $0xb8;
	[tilespmem:$0x18700] =	vst v63  }
0x1c8: {  	s25 =	simm.s32 $0x15800;
	v35 =	vadd.s32 v33, v35  }
0x1c9: {  	[hbm4b:s5+s3] =	stream.indirect_vreg.scatter [tilespmem:s25], [sflag:$0x2], $0x80, v36, vm0, $0xb8;
	[tilespmem:$0x18700] =	vst v63  }
0x1ca: {  	s26 =	simm.s32 $0x16000  }
0x1cb: {  	[hbm4b:s6+s3] =	stream.indirect_vreg.scatter [tilespmem:s26], [sflag:$0x2], $0x80, v36, vm0, $0xb8;
	[tilespmem:$0x18700] =	vst v63  }
0x1cc: {  	s28 =	simm.s32 $0x16800  }
0x1cd: {  	[hbm4b:s2+s3] =	stream.indirect_vreg.scatter [tilespmem:s28], [sflag:$0x2], $0x80, v35, vm0, $0xb8;
	[tilespmem:$0x18700] =	vst v63  }
0x1ce: {  	s29 =	simm.s32 $0x17000  }
0x1cf: {  	[hbm4b:s5+s3] =	stream.indirect_vreg.scatter [tilespmem:s29], [sflag:$0x2], $0x80, v35, vm0, $0xb8;
	[tilespmem:$0x18700] =	vst v63  }
0x1d0: {  	s30 =	simm.s32 $0x17800  }
0x1d1: {  	[hbm4b:s6+s3] =	stream.indirect_vreg.scatter [tilespmem:s30], [sflag:$0x2], $0x80, v35, vm0, $0xb8;
	[tilespmem:$0x18700] =	vst v63  }
0x1d2: {  	s0 =	rddreg [dreg:$0xa]  }
0x1d3: {  	[hbm4b:s0+s3] =	stream.linear.scatter [tilespmem:s4], [sflag:$0x2], $0xC000, $0x38;
	[tilespmem:$0x18700] =	vst v63  }
0x1d4: {  	v35 =	vld [tilespmem:$0x18280];
	_ =	sdelay $0x4  }
0x1d5: {  	v52 =	vshrl.u32 v35, $0x3  }
0x1d6: {  	v36 =	vmul.u32 $0x30, v52  }
0x1d7: {  	v35 =	vand.u32 $0x7, v35  }
0x1d8: {  	v35 =	vor.u32 v35, v36  }
0x1d9: {  	v36 =	vperm.xlane v35, v32;
	_ =	sdelay $0x1  }
0x1da: {  	v36 =	vadd.s32 v33, v36;
	_ =	sdelay $0x3  }
0x1db: {  	v35 =	vperm.xlane v35, v34  }
0x1dc: {  	[hbm4b:s2+s3] =	stream.indirect_vreg.scatter [tilespmem:s4], [sflag:$0x2], $0x80, v36, vm0, $0xb8;
	[tilespmem:$0x18700] =	vst v63  }
0x1dd: {  	v35 =	vadd.s32 v33, v35  }
0x1de: {  	[hbm4b:s5+s3] =	stream.indirect_vreg.scatter [tilespmem:s7], [sflag:$0x2], $0x80, v36, vm0, $0xb8;
	[tilespmem:$0x18700] =	vst v63  }
0x1df: {  	_ = 	snop  }
0x1e0: {  	[hbm4b:s6+s3] =	stream.indirect_vreg.scatter [tilespmem:s8], [sflag:$0x2], $0x80, v36, vm0, $0xb8;
	[tilespmem:$0x18700] =	vst v63  }
0x1e1: {  	_ = 	snop  }
0x1e2: {  	[hbm4b:s2+s3] =	stream.indirect_vreg.scatter [tilespmem:s9], [sflag:$0x2], $0x80, v35, vm0, $0xb8;
	[tilespmem:$0x18700] =	vst v63  }
0x1e3: {  	_ = 	snop  }
0x1e4: {  	[hbm4b:s5+s3] =	stream.indirect_vreg.scatter [tilespmem:s10], [sflag:$0x2], $0x80, v35, vm0, $0xb8;
	[tilespmem:$0x18700] =	vst v63  }
0x1e5: {  	_ = 	snop  }
0x1e6: {  	[hbm4b:s6+s3] =	stream.indirect_vreg.scatter [tilespmem:s11], [sflag:$0x2], $0x80, v35, vm0, $0xb8;
	[tilespmem:$0x18700] =	vst v63  }
0x1e7: {  	v35 =	vld [tilespmem:$0x18290];
	_ =	sdelay $0x4  }
0x1e8: {  	v53 =	vshrl.u32 v35, $0x3  }
0x1e9: {  	v36 =	vmul.u32 $0x30, v53  }
0x1ea: {  	v35 =	vand.u32 $0x7, v35  }
0x1eb: {  	v35 =	vor.u32 v35, v36  }
0x1ec: {  	v36 =	vperm.xlane v35, v32;
	_ =	sdelay $0x1  }
0x1ed: {  	v36 =	vadd.s32 v33, v36;
	_ =	sdelay $0x3  }
0x1ee: {  	v35 =	vperm.xlane v35, v34  }
0x1ef: {  	[hbm4b:s2+s3] =	stream.indirect_vreg.scatter [tilespmem:s12], [sflag:$0x2], $0x80, v36, vm0, $0xb8;
	[tilespmem:$0x18700] =	vst v63  }
0x1f0: {  	v35 =	vadd.s32 v33, v35  }
0x1f1: {  	[hbm4b:s5+s3] =	stream.indirect_vreg.scatter [tilespmem:s13], [sflag:$0x2], $0x80, v36, vm0, $0xb8;
	[tilespmem:$0x18700] =	vst v63  }
0x1f2: {  	_ = 	snop  }
0x1f3: {  	[hbm4b:s6+s3] =	stream.indirect_vreg.scatter [tilespmem:s14], [sflag:$0x2], $0x80, v36, vm0, $0xb8;
	[tilespmem:$0x18700] =	vst v63  }
0x1f4: {  	_ = 	snop  }
0x1f5: {  	[hbm4b:s2+s3] =	stream.indirect_vreg.scatter [tilespmem:s15], [sflag:$0x2], $0x80, v35, vm0, $0xb8;
	[tilespmem:$0x18700] =	vst v63  }
0x1f6: {  	_ = 	snop  }
0x1f7: {  	[hbm4b:s5+s3] =	stream.indirect_vreg.scatter [tilespmem:s16], [sflag:$0x2], $0x80, v35, vm0, $0xb8;
	[tilespmem:$0x18700] =	vst v63  }
0x1f8: {  	_ = 	snop  }
0x1f9: {  	[hbm4b:s6+s3] =	stream.indirect_vreg.scatter [tilespmem:s17], [sflag:$0x2], $0x80, v35, vm0, $0xb8;
	[tilespmem:$0x18700] =	vst v63  }
0x1fa: {  	v35 =	vld [tilespmem:$0x182A0];
	_ =	sdelay $0x4  }
0x1fb: {  	v54 =	vshrl.u32 v35, $0x3  }
0x1fc: {  	v36 =	vmul.u32 $0x30, v54  }
0x1fd: {  	v35 =	vand.u32 $0x7, v35  }
0x1fe: {  	v35 =	vor.u32 v35, v36  }
0x1ff: {  	v36 =	vperm.xlane v35, v32;
	_ =	sdelay $0x1  }
0x200: {  	v36 =	vadd.s32 v33, v36;
	_ =	sdelay $0x3  }
0x201: {  	v35 =	vperm.xlane v35, v34  }
0x202: {  	[hbm4b:s2+s3] =	stream.indirect_vreg.scatter [tilespmem:s18], [sflag:$0x2], $0x80, v36, vm0, $0xb8;
	[tilespmem:$0x18700] =	vst v63  }
0x203: {  	v35 =	vadd.s32 v33, v35  }
0x204: {  	[hbm4b:s5+s3] =	stream.indirect_vreg.scatter [tilespmem:s19], [sflag:$0x2], $0x80, v36, vm0, $0xb8;
	[tilespmem:$0x18700] =	vst v63  }
0x205: {  	_ = 	snop  }
0x206: {  	[hbm4b:s6+s3] =	stream.indirect_vreg.scatter [tilespmem:s20], [sflag:$0x2], $0x80, v36, vm0, $0xb8;
	[tilespmem:$0x18700] =	vst v63  }
0x207: {  	_ = 	snop  }
0x208: {  	[hbm4b:s2+s3] =	stream.indirect_vreg.scatter [tilespmem:s21], [sflag:$0x2], $0x80, v35, vm0, $0xb8;
	[tilespmem:$0x18700] =	vst v63  }
0x209: {  	_ = 	snop  }
0x20a: {  	[hbm4b:s5+s3] =	stream.indirect_vreg.scatter [tilespmem:s22], [sflag:$0x2], $0x80, v35, vm0, $0xb8;
	[tilespmem:$0x18700] =	vst v63  }
0x20b: {  	_ = 	snop  }
0x20c: {  	[hbm4b:s6+s3] =	stream.indirect_vreg.scatter [tilespmem:s23], [sflag:$0x2], $0x80, v35, vm0, $0xb8;
	[tilespmem:$0x18700] =	vst v63  }
0x20d: {  	v35 =	vld [tilespmem:$0x182B0];
	_ =	sdelay $0x4  }
0x20e: {  	v55 =	vshrl.u32 v35, $0x3  }
0x20f: {  	v36 =	vmul.u32 $0x30, v55  }
0x210: {  	v35 =	vand.u32 $0x7, v35  }
0x211: {  	v35 =	vor.u32 v35, v36  }
0x212: {  	v36 =	vperm.xlane v35, v32;
	_ =	sdelay $0x1  }
0x213: {  	v36 =	vadd.s32 v33, v36;
	_ =	sdelay $0x3  }
0x214: {  	v35 =	vperm.xlane v35, v34  }
0x215: {  	[hbm4b:s2+s3] =	stream.indirect_vreg.scatter [tilespmem:s24], [sflag:$0x2], $0x80, v36, vm0, $0xb8;
	[tilespmem:$0x18700] =	vst v63  }
0x216: {  	v35 =	vadd.s32 v33, v35  }
0x217: {  	[hbm4b:s5+s3] =	stream.indirect_vreg.scatter [tilespmem:s25], [sflag:$0x2], $0x80, v36, vm0, $0xb8;
	[tilespmem:$0x18700] =	vst v63  }
0x218: {  	_ = 	snop  }
0x219: {  	[hbm4b:s6+s3] =	stream.indirect_vreg.scatter [tilespmem:s26], [sflag:$0x2], $0x80, v36, vm0, $0xb8;
	[tilespmem:$0x18700] =	vst v63  }
0x21a: {  	_ = 	snop  }
0x21b: {  	[hbm4b:s2+s3] =	stream.indirect_vreg.scatter [tilespmem:s28], [sflag:$0x2], $0x80, v35, vm0, $0xb8;
	[tilespmem:$0x18700] =	vst v63  }
0x21c: {  	_ = 	snop  }
0x21d: {  	[hbm4b:s5+s3] =	stream.indirect_vreg.scatter [tilespmem:s29], [sflag:$0x2], $0x80, v35, vm0, $0xb8;
	[tilespmem:$0x18700] =	vst v63  }
0x21e: {  	_ = 	snop  }
0x21f: {  	[hbm4b:s6+s3] =	stream.indirect_vreg.scatter [tilespmem:s30], [sflag:$0x2], $0x80, v35, vm0, $0xb8;
	[tilespmem:$0x18700] =	vst v63  }
0x220: {  	s0 =	rddreg [dreg:$0xb]  }
0x221: {  	[hbm4b:s0+s3] =	stream.linear.scatter [tilespmem:s4], [sflag:$0x2], $0xC000, $0x38;
	[tilespmem:$0x18700] =	vst v63  }
0x222: {  	v35 =	vld [tilespmem:$0x18300];
	_ =	sdelay $0x4  }
0x223: {  	v56 =	vshrl.u32 v35, $0x3  }
0x224: {  	v36 =	vmul.u32 $0x30, v56  }
0x225: {  	v35 =	vand.u32 $0x7, v35  }
0x226: {  	v35 =	vor.u32 v35, v36  }
0x227: {  	v36 =	vperm.xlane v35, v32;
	_ =	sdelay $0x1  }
0x228: {  	v36 =	vadd.s32 v33, v36;
	_ =	sdelay $0x3  }
0x229: {  	v35 =	vperm.xlane v35, v34  }
0x22a: {  	[hbm4b:s2+s3] =	stream.indirect_vreg.scatter [tilespmem:s4], [sflag:$0x2], $0x80, v36, vm0, $0xb8;
	[tilespmem:$0x18700] =	vst v63  }
0x22b: {  	v35 =	vadd.s32 v33, v35  }
0x22c: {  	[hbm4b:s5+s3] =	stream.indirect_vreg.scatter [tilespmem:s7], [sflag:$0x2], $0x80, v36, vm0, $0xb8;
	[tilespmem:$0x18700] =	vst v63  }
0x22d: {  	_ = 	snop  }
0x22e: {  	[hbm4b:s6+s3] =	stream.indirect_vreg.scatter [tilespmem:s8], [sflag:$0x2], $0x80, v36, vm0, $0xb8;
	[tilespmem:$0x18700] =	vst v63  }
0x22f: {  	_ = 	snop  }
0x230: {  	[hbm4b:s2+s3] =	stream.indirect_vreg.scatter [tilespmem:s9], [sflag:$0x2], $0x80, v35, vm0, $0xb8;
	[tilespmem:$0x18700] =	vst v63  }
0x231: {  	_ = 	snop  }
0x232: {  	[hbm4b:s5+s3] =	stream.indirect_vreg.scatter [tilespmem:s10], [sflag:$0x2], $0x80, v35, vm0, $0xb8;
	[tilespmem:$0x18700] =	vst v63  }
0x233: {  	_ = 	snop  }
0x234: {  	[hbm4b:s6+s3] =	stream.indirect_vreg.scatter [tilespmem:s11], [sflag:$0x2], $0x80, v35, vm0, $0xb8;
	[tilespmem:$0x18700] =	vst v63  }
0x235: {  	v35 =	vld [tilespmem:$0x18310];
	_ =	sdelay $0x4  }
0x236: {  	v57 =	vshrl.u32 v35, $0x3  }
0x237: {  	v36 =	vmul.u32 $0x30, v57  }
0x238: {  	v35 =	vand.u32 $0x7, v35  }
0x239: {  	v35 =	vor.u32 v35, v36  }
0x23a: {  	v36 =	vperm.xlane v35, v32;
	_ =	sdelay $0x1  }
0x23b: {  	v36 =	vadd.s32 v33, v36;
	_ =	sdelay $0x3  }
0x23c: {  	v35 =	vperm.xlane v35, v34  }
0x23d: {  	[hbm4b:s2+s3] =	stream.indirect_vreg.scatter [tilespmem:s12], [sflag:$0x2], $0x80, v36, vm0, $0xb8;
	[tilespmem:$0x18700] =	vst v63  }
0x23e: {  	v35 =	vadd.s32 v33, v35  }
0x23f: {  	[hbm4b:s5+s3] =	stream.indirect_vreg.scatter [tilespmem:s13], [sflag:$0x2], $0x80, v36, vm0, $0xb8;
	[tilespmem:$0x18700] =	vst v63  }
0x240: {  	_ = 	snop  }
0x241: {  	[hbm4b:s6+s3] =	stream.indirect_vreg.scatter [tilespmem:s14], [sflag:$0x2], $0x80, v36, vm0, $0xb8;
	[tilespmem:$0x18700] =	vst v63  }
0x242: {  	_ = 	snop  }
0x243: {  	[hbm4b:s2+s3] =	stream.indirect_vreg.scatter [tilespmem:s15], [sflag:$0x2], $0x80, v35, vm0, $0xb8;
	[tilespmem:$0x18700] =	vst v63  }
0x244: {  	_ = 	snop  }
0x245: {  	[hbm4b:s5+s3] =	stream.indirect_vreg.scatter [tilespmem:s16], [sflag:$0x2], $0x80, v35, vm0, $0xb8;
	[tilespmem:$0x18700] =	vst v63  }
0x246: {  	_ = 	snop  }
0x247: {  	[hbm4b:s6+s3] =	stream.indirect_vreg.scatter [tilespmem:s17], [sflag:$0x2], $0x80, v35, vm0, $0xb8;
	[tilespmem:$0x18700] =	vst v63  }
0x248: {  	v35 =	vld [tilespmem:$0x18320];
	_ =	sdelay $0x4  }
0x249: {  	v58 =	vshrl.u32 v35, $0x3  }
0x24a: {  	v36 =	vmul.u32 $0x30, v58  }
0x24b: {  	v35 =	vand.u32 $0x7, v35  }
0x24c: {  	v35 =	vor.u32 v35, v36  }
0x24d: {  	v36 =	vperm.xlane v35, v32;
	_ =	sdelay $0x1  }
0x24e: {  	v36 =	vadd.s32 v33, v36;
	_ =	sdelay $0x3  }
0x24f: {  	v35 =	vperm.xlane v35, v34  }
0x250: {  	[hbm4b:s2+s3] =	stream.indirect_vreg.scatter [tilespmem:s18], [sflag:$0x2], $0x80, v36, vm0, $0xb8;
	[tilespmem:$0x18700] =	vst v63  }
0x251: {  	v35 =	vadd.s32 v33, v35  }
0x252: {  	[hbm4b:s5+s3] =	stream.indirect_vreg.scatter [tilespmem:s19], [sflag:$0x2], $0x80, v36, vm0, $0xb8;
	[tilespmem:$0x18700] =	vst v63  }
0x253: {  	_ = 	snop  }
0x254: {  	[hbm4b:s6+s3] =	stream.indirect_vreg.scatter [tilespmem:s20], [sflag:$0x2], $0x80, v36, vm0, $0xb8;
	[tilespmem:$0x18700] =	vst v63  }
0x255: {  	_ = 	snop  }
0x256: {  	[hbm4b:s2+s3] =	stream.indirect_vreg.scatter [tilespmem:s21], [sflag:$0x2], $0x80, v35, vm0, $0xb8;
	[tilespmem:$0x18700] =	vst v63  }
0x257: {  	_ = 	snop  }
0x258: {  	[hbm4b:s5+s3] =	stream.indirect_vreg.scatter [tilespmem:s22], [sflag:$0x2], $0x80, v35, vm0, $0xb8;
	[tilespmem:$0x18700] =	vst v63  }
0x259: {  	_ = 	snop  }
0x25a: {  	[hbm4b:s6+s3] =	stream.indirect_vreg.scatter [tilespmem:s23], [sflag:$0x2], $0x80, v35, vm0, $0xb8;
	[tilespmem:$0x18700] =	vst v63  }
0x25b: {  	v35 =	vld [tilespmem:$0x18330];
	_ =	sdelay $0x4  }
0x25c: {  	v59 =	vshrl.u32 v35, $0x3  }
0x25d: {  	v36 =	vmul.u32 $0x30, v59  }
0x25e: {  	v35 =	vand.u32 $0x7, v35  }
0x25f: {  	v35 =	vor.u32 v35, v36  }
0x260: {  	v36 =	vperm.xlane v35, v32;
	_ =	sdelay $0x1  }
0x261: {  	v36 =	vadd.s32 v33, v36;
	_ =	sdelay $0x3  }
0x262: {  	v35 =	vperm.xlane v35, v34  }
0x263: {  	[hbm4b:s2+s3] =	stream.indirect_vreg.scatter [tilespmem:s24], [sflag:$0x2], $0x80, v36, vm0, $0xb8;
	[tilespmem:$0x18700] =	vst v63  }
0x264: {  	v35 =	vadd.s32 v33, v35  }
0x265: {  	[hbm4b:s5+s3] =	stream.indirect_vreg.scatter [tilespmem:s25], [sflag:$0x2], $0x80, v36, vm0, $0xb8;
	[tilespmem:$0x18700] =	vst v63  }
0x266: {  	_ = 	snop  }
0x267: {  	[hbm4b:s6+s3] =	stream.indirect_vreg.scatter [tilespmem:s26], [sflag:$0x2], $0x80, v36, vm0, $0xb8;
	[tilespmem:$0x18700] =	vst v63  }
0x268: {  	_ = 	snop  }
0x269: {  	[hbm4b:s2+s3] =	stream.indirect_vreg.scatter [tilespmem:s28], [sflag:$0x2], $0x80, v35, vm0, $0xb8;
	[tilespmem:$0x18700] =	vst v63  }
0x26a: {  	_ = 	snop  }
0x26b: {  	[hbm4b:s5+s3] =	stream.indirect_vreg.scatter [tilespmem:s29], [sflag:$0x2], $0x80, v35, vm0, $0xb8;
	[tilespmem:$0x18700] =	vst v63  }
0x26c: {  	_ = 	snop  }
0x26d: {  	[hbm4b:s6+s3] =	stream.indirect_vreg.scatter [tilespmem:s30], [sflag:$0x2], $0x80, v35, vm0, $0xb8;
	[tilespmem:$0x18700] =	vst v63  }
0x26e: {  	s0 =	rddreg [dreg:$0xc]  }
0x26f: {  	[hbm4b:s0+s3] =	stream.linear.scatter [tilespmem:s4], [sflag:$0x2], $0xC000, $0x38;
	[tilespmem:$0x18700] =	vst v63  }
0x270: {  	v35 =	vld [tilespmem:$0x18380];
	_ =	sdelay $0x4  }
0x271: {  	v60 =	vshrl.u32 v35, $0x3  }
0x272: {  	v36 =	vmul.u32 $0x30, v60  }
0x273: {  	v35 =	vand.u32 $0x7, v35  }
0x274: {  	v35 =	vor.u32 v35, v36  }
0x275: {  	v36 =	vperm.xlane v35, v32;
	_ =	sdelay $0x1  }
0x276: {  	v36 =	vadd.s32 v33, v36;
	_ =	sdelay $0x3  }
0x277: {  	v35 =	vperm.xlane v35, v34  }
0x278: {  	[hbm4b:s2+s3] =	stream.indirect_vreg.scatter [tilespmem:s4], [sflag:$0x2], $0x80, v36, vm0, $0xb8;
	[tilespmem:$0x18700] =	vst v63  }
0x279: {  	v35 =	vadd.s32 v33, v35  }
0x27a: {  	[hbm4b:s5+s3] =	stream.indirect_vreg.scatter [tilespmem:s7], [sflag:$0x2], $0x80, v36, vm0, $0xb8;
	[tilespmem:$0x18700] =	vst v63  }
0x27b: {  	_ = 	snop  }
0x27c: {  	[hbm4b:s6+s3] =	stream.indirect_vreg.scatter [tilespmem:s8], [sflag:$0x2], $0x80, v36, vm0, $0xb8;
	[tilespmem:$0x18700] =	vst v63  }
0x27d: {  	_ = 	snop  }
0x27e: {  	[hbm4b:s2+s3] =	stream.indirect_vreg.scatter [tilespmem:s9], [sflag:$0x2], $0x80, v35, vm0, $0xb8;
	[tilespmem:$0x18700] =	vst v63  }
0x27f: {  	_ = 	snop  }
0x280: {  	[hbm4b:s5+s3] =	stream.indirect_vreg.scatter [tilespmem:s10], [sflag:$0x2], $0x80, v35, vm0, $0xb8;
	[tilespmem:$0x18700] =	vst v63  }
0x281: {  	_ = 	snop  }
0x282: {  	[hbm4b:s6+s3] =	stream.indirect_vreg.scatter [tilespmem:s11], [sflag:$0x2], $0x80, v35, vm0, $0xb8;
	[tilespmem:$0x18700] =	vst v63  }
0x283: {  	v35 =	vld [tilespmem:$0x18390];
	_ =	sdelay $0x4  }
0x284: {  	v61 =	vshrl.u32 v35, $0x3  }
0x285: {  	v36 =	vmul.u32 $0x30, v61  }
0x286: {  	v35 =	vand.u32 $0x7, v35  }
0x287: {  	v35 =	vor.u32 v35, v36  }
0x288: {  	v36 =	vperm.xlane v35, v32;
	_ =	sdelay $0x1  }
0x289: {  	v36 =	vadd.s32 v33, v36;
	_ =	sdelay $0x3  }
0x28a: {  	v35 =	vperm.xlane v35, v34  }
0x28b: {  	[hbm4b:s2+s3] =	stream.indirect_vreg.scatter [tilespmem:s12], [sflag:$0x2], $0x80, v36, vm0, $0xb8;
	[tilespmem:$0x18700] =	vst v63  }
0x28c: {  	v35 =	vadd.s32 v33, v35  }
0x28d: {  	[hbm4b:s5+s3] =	stream.indirect_vreg.scatter [tilespmem:s13], [sflag:$0x2], $0x80, v36, vm0, $0xb8;
	[tilespmem:$0x18700] =	vst v63  }
0x28e: {  	_ = 	snop  }
0x28f: {  	[hbm4b:s6+s3] =	stream.indirect_vreg.scatter [tilespmem:s14], [sflag:$0x2], $0x80, v36, vm0, $0xb8;
	[tilespmem:$0x18700] =	vst v63  }
0x290: {  	_ = 	snop  }
0x291: {  	[hbm4b:s2+s3] =	stream.indirect_vreg.scatter [tilespmem:s15], [sflag:$0x2], $0x80, v35, vm0, $0xb8;
	[tilespmem:$0x18700] =	vst v63  }
0x292: {  	_ = 	snop  }
0x293: {  	[hbm4b:s5+s3] =	stream.indirect_vreg.scatter [tilespmem:s16], [sflag:$0x2], $0x80, v35, vm0, $0xb8;
	[tilespmem:$0x18700] =	vst v63  }
0x294: {  	_ = 	snop  }
0x295: {  	[hbm4b:s6+s3] =	stream.indirect_vreg.scatter [tilespmem:s17], [sflag:$0x2], $0x80, v35, vm0, $0xb8;
	[tilespmem:$0x18700] =	vst v63  }
0x296: {  	v35 =	vld [tilespmem:$0x183A0];
	_ =	sdelay $0x4  }
0x297: {  	v62 =	vshrl.u32 v35, $0x3  }
0x298: {  	v36 =	vmul.u32 $0x30, v62  }
0x299: {  	v35 =	vand.u32 $0x7, v35  }
0x29a: {  	v35 =	vor.u32 v35, v36  }
0x29b: {  	v36 =	vperm.xlane v35, v32;
	_ =	sdelay $0x1  }
0x29c: {  	v36 =	vadd.s32 v33, v36;
	_ =	sdelay $0x3  }
0x29d: {  	v35 =	vperm.xlane v35, v34  }
0x29e: {  	[hbm4b:s2+s3] =	stream.indirect_vreg.scatter [tilespmem:s18], [sflag:$0x2], $0x80, v36, vm0, $0xb8;
	[tilespmem:$0x18700] =	vst v63  }
0x29f: {  	v35 =	vadd.s32 v33, v35  }
0x2a0: {  	[hbm4b:s5+s3] =	stream.indirect_vreg.scatter [tilespmem:s19], [sflag:$0x2], $0x80, v36, vm0, $0xb8;
	[tilespmem:$0x18700] =	vst v63  }
0x2a1: {  	_ = 	snop  }
0x2a2: {  	[hbm4b:s6+s3] =	stream.indirect_vreg.scatter [tilespmem:s20], [sflag:$0x2], $0x80, v36, vm0, $0xb8;
	[tilespmem:$0x18700] =	vst v63  }
0x2a3: {  	_ = 	snop  }
0x2a4: {  	[hbm4b:s2+s3] =	stream.indirect_vreg.scatter [tilespmem:s21], [sflag:$0x2], $0x80, v35, vm0, $0xb8;
	[tilespmem:$0x18700] =	vst v63  }
0x2a5: {  	_ = 	snop  }
0x2a6: {  	[hbm4b:s5+s3] =	stream.indirect_vreg.scatter [tilespmem:s22], [sflag:$0x2], $0x80, v35, vm0, $0xb8;
	[tilespmem:$0x18700] =	vst v63  }
0x2a7: {  	_ = 	snop  }
0x2a8: {  	[hbm4b:s6+s3] =	stream.indirect_vreg.scatter [tilespmem:s23], [sflag:$0x2], $0x80, v35, vm0, $0xb8;
	[tilespmem:$0x18700] =	vst v63  }
0x2a9: {  	v35 =	vld [tilespmem:$0x183B0];
	_ =	sdelay $0x4  }
0x2aa: {  	v63 =	vshrl.u32 v35, $0x3  }
0x2ab: {  	v36 =	vmul.u32 $0x30, v63  }
0x2ac: {  	v35 =	vand.u32 $0x7, v35  }
0x2ad: {  	v35 =	vor.u32 v35, v36  }
0x2ae: {  	v36 =	vperm.xlane v35, v32;
	_ =	sdelay $0x1  }
0x2af: {  	v36 =	vadd.s32 v33, v36;
	_ =	sdelay $0x3  }
0x2b0: {  	v35 =	vperm.xlane v35, v34  }
0x2b1: {  	[hbm4b:s2+s3] =	stream.indirect_vreg.scatter [tilespmem:s24], [sflag:$0x2], $0x80, v36, vm0, $0xb8;
	[tilespmem:$0x18700] =	vst v63  }
0x2b2: {  	v35 =	vadd.s32 v33, v35  }
0x2b3: {  	[hbm4b:s5+s3] =	stream.indirect_vreg.scatter [tilespmem:s25], [sflag:$0x2], $0x80, v36, vm0, $0xb8;
	[tilespmem:$0x18700] =	vst v63  }
0x2b4: {  	_ = 	snop  }
0x2b5: {  	[hbm4b:s6+s3] =	stream.indirect_vreg.scatter [tilespmem:s26], [sflag:$0x2], $0x80, v36, vm0, $0xb8;
	[tilespmem:$0x18700] =	vst v63  }
0x2b6: {  	_ = 	snop  }
0x2b7: {  	[hbm4b:s2+s3] =	stream.indirect_vreg.scatter [tilespmem:s28], [sflag:$0x2], $0x80, v35, vm0, $0xb8;
	[tilespmem:$0x18700] =	vst v63  }
0x2b8: {  	_ = 	snop  }
0x2b9: {  	[hbm4b:s5+s3] =	stream.indirect_vreg.scatter [tilespmem:s29], [sflag:$0x2], $0x80, v35, vm0, $0xb8;
	[tilespmem:$0x18700] =	vst v63  }
0x2ba: {  	s0 =	rddreg [dreg:$0xd]  }
0x2bb: {  	[hbm4b:s6+s3] =	stream.indirect_vreg.scatter [tilespmem:s30], [sflag:$0x2], $0x80, v35, vm0, $0xb8;
	[tilespmem:$0x18700] =	vst v63  }
0x2bc: {  	s9 =	simm.s32 @!p0 $0x80;
	s10 =	simm.s32 @!p0 $0x400;
	s11 =	simm.s32 @!p0 $0x18400  }
0x2bd: {  	[tilespmem:s11], [sflag:$0x3] =	stream.strided.gather @!p0 [hbm4b:s0+s9], $0x300, s10, s9, $0x38;
	[tilespmem:$0x18700] =	vst v63  }
0x2be: {  	s0 =	simm.s32 @!p0 $0x3  }
0x2bf: {  	s4 =	rddreg [dreg:$0x11];
	_ =	swait.ge @!p0 [sflag:s0], $0x300  }
0x2c0: {  	[sflag:s0] =	ssyncset.done @!p0 $0x0  }
0x2c1: {  	[sflag:s0] =	ssyncadd.s32 @!p0 $0xFFFFFD00  }
0x2c2: {  	[hbm4b:s2+s9] =	stream.strided.scatter @!p0 [tilespmem:s11], [sflag:$0x3], $0x300, s10, s9, $0x38;
	[tilespmem:$0x18700] =	vst v63  }
0x2c3: {  	_ =	swait.ge @!p0 [sflag:s0], $0x300  }
0x2c4: {  	[sflag:s0] =	ssyncset.done @!p0 $0x0  }
0x2c5: {  	s12 =	rddreg [dreg:$0xe];
	[sflag:s0] =	ssyncadd.s32 @!p0 $0xFFFFFD00  }
0x2c6: {  	[hbm4b:s12+s9] =	stream.strided.scatter @!p0 [tilespmem:s11], [sflag:$0x3], $0x300, s10, s9, $0x38;
	[tilespmem:$0x18700] =	vst v63  }
0x2c7: {  	_ =	swait.ge @!p0 [sflag:s0], $0x300  }
0x2c8: {  	[sflag:s0] =	ssyncset.done @!p0 $0x0  }
0x2c9: {  	s12 =	rddreg [dreg:$0xf];
	[sflag:s0] =	ssyncadd.s32 @!p0 $0xFFFFFD00  }
0x2ca: {  	[hbm4b:s12+s9] =	stream.strided.scatter @!p0 [tilespmem:s11], [sflag:$0x3], $0x300, s10, s9, $0x38;
	[tilespmem:$0x18700] =	vst v63  }
0x2cb: {  	_ =	swait.ge @!p0 [sflag:s0], $0x300  }
0x2cc: {  	[sflag:s0] =	ssyncset.done @!p0 $0x0  }
0x2cd: {  	s12 =	rddreg [dreg:$0x10];
	[sflag:s0] =	ssyncadd.s32 @!p0 $0xFFFFFD00  }
0x2ce: {  	[hbm4b:s12+s9] =	stream.strided.scatter @!p0 [tilespmem:s11], [sflag:$0x3], $0x300, s10, s9, $0x38;
	[tilespmem:$0x18700] =	vst v63  }
0x2cf: {  	_ =	swait.ge @!p0 [sflag:s0], $0x300  }
0x2d0: {  	[sflag:s0] =	ssyncset.done @!p0 $0x0  }
0x2d1: {  	[sflag:s0] =	ssyncadd.s32 @!p0 $0xFFFFFD00  }
0x2d2: {  	_ =	swait.ge [sflag:s1], $0xC000  }
0x2d3: {  	[sflag:s1] =	ssyncset.done $0x0  }
0x2d4: {  	[sflag:s1] =	ssyncadd.s32 $0xFFFF4000  }
0x2d5: {  	_ =	swait.ge [sflag:s1], $0xC000  }
0x2d6: {  	[sflag:s1] =	ssyncset.done $0x0  }
0x2d7: {  	[sflag:s1] =	ssyncadd.s32 $0xFFFF4000  }
0x2d8: {  	_ =	swait.ge [sflag:s1], $0xC000  }
0x2d9: {  	[sflag:s1] =	ssyncset.done $0x0  }
0x2da: {  	[sflag:s1] =	ssyncadd.s32 $0xFFFF4000  }
0x2db: {  	_ =	swait.ge [sflag:s1], $0xC000  }
0x2dc: {  	[sflag:s1] =	ssyncset.done $0x0  }
0x2dd: {  	[sflag:s1] =	ssyncadd.s32 $0xFFFF4000  }
0x2de: {  	_ =	swait.ge [sflag:s1], $0xC000  }
0x2df: {  	[sflag:s1] =	ssyncset.done $0x0  }
0x2e0: {  	[sflag:s1] =	ssyncadd.s32 $0xFFFF4000  }
0x2e1: {  	_ =	swait.ge [sflag:s1], $0xC000  }
0x2e2: {  	[sflag:s1] =	ssyncset.done $0x0  }
0x2e3: {  	[sflag:s1] =	ssyncadd.s32 $0xFFFF4000  }
0x2e4: {  	_ =	swait.ge [sflag:s1], $0xC000  }
0x2e5: {  	[sflag:s1] =	ssyncset.done $0x0  }
0x2e6: {  	[sflag:s1] =	ssyncadd.s32 $0xFFFF4000  }
0x2e7: {  	_ =	swait.ge [sflag:s1], $0xC000  }
0x2e8: {  	[sflag:s1] =	ssyncset.done $0x0  }
0x2e9: {  	[sflag:s1] =	ssyncadd.s32 $0xFFFF4000  }
0x2ea: {  	_ =	swait.ge [sflag:s1], $0xC000  }
0x2eb: {  	[sflag:s1] =	ssyncset.done $0x0  }
0x2ec: {  	[sflag:s1] =	ssyncadd.s32 $0xFFFF4000  }
0x2ed: {  	_ =	swait.ge [sflag:s1], $0xC000  }
0x2ee: {  	[sflag:s1] =	ssyncset.done $0x0  }
0x2ef: {  	[sflag:s1] =	ssyncadd.s32 $0xFFFF4000  }
0x2f0: {  	_ =	swait.ge [sflag:s1], $0xC000  }
0x2f1: {  	[sflag:s1] =	ssyncset.done $0x0  }
0x2f2: {  	[sflag:s1] =	ssyncadd.s32 $0xFFFF4000  }
0x2f3: {  	_ =	swait.ge [sflag:s1], $0xC000  }
0x2f4: {  	[sflag:s1] =	ssyncset.done $0x0  }
0x2f5: {  	[sflag:s1] =	ssyncadd.s32 $0xFFFF4000  }
0x2f6: {  	_ =	swait.ge [sflag:s1], $0xC000  }
0x2f7: {  	[sflag:s1] =	ssyncset.done $0x0  }
0x2f8: {  	[sflag:s1] =	ssyncadd.s32 $0xFFFF4000  }
0x2f9: {  	_ =	swait.ge [sflag:s1], $0xC000  }
0x2fa: {  	[sflag:s1] =	ssyncset.done $0x0  }
0x2fb: {  	s4 =	sadd.s32 $0xFFFFFFFF, s4;
	[sflag:s1] =	ssyncadd.s32 $0xFFFF4000  }
0x2fc: {  	p1 =	sne.s32 s4, $0x0;
	_ =	swait.ge [sflag:s1], $0xC000  }
.Ltmp0:
0x2fd: {  	[sflag:s1] =	ssyncset.done $0x0;
	(pc) =	sbr.rel @p1 .LBB2_1-.Ltmp0, $4  }
0x2fe: {  	[sflag:s1] =	ssyncadd.s32 $0xFFFF4000  }
0x2ff: {  	_ =	swait.ge [sflag:s1], $0xC000  }
0x300: {  	[sflag:s1] =	ssyncset.done $0x0  }
0x301: {  	[sflag:s1] =	ssyncadd.s32 $0xFFFF4000  }
0x302: {  	_ =	sfence.sel $0x180000  }
0x303: {  	[bflag:$0x0] =	sbarrier.arrive $0xFFFF  }
0x304: {  	_ =	strace $0x90000047  }
0x305: {  	s0 =	stileid.u32;
	[bflag:$0x2] =	sbarrier.arrive $0xFFFF  }
0x306: {  	p0 =	sne.s32 s0, $0x0;
	s0 =	rddreg [dreg:$0x2]  }
0x307: {  	s0 =	sadd.s32 @!p0 $0x100000, s0  }
0x308: {  	[sflag:s0] =	ssyncadd.tile.s32 @!p0 $0x1;
	_ =	shalt  }
.Lfunc_end2:
_tile_overlayer_lowered:
.L_overlay_start_2:
0x309: {  	(tag) =	ssettag $0x2  }
0x30a: {  	s0 =	rddreg [dreg:$0x0];
	s2 =	stileid.u32  }
0x30b: {  	s1 =	rddreg [dreg:$0x1];
	p0 =	sne.s32 s2, $0x0  }
0x30c: {  	s3 =	rddreg [dreg:$0x2];
	[bflag:$0x3] =	sbarrier.arrive $0xFFFF;
	s2 =	simm.s32 @!p0 $0x1C03  }
0x30d: {  	[timem:s3], [sflag:s2] =	dma.local @!p0 [hbm:s0], s1  }
0x30e: {  	s0 =	simm.s32 @!p0 $0x3  }
0x30f: {  	_ =	swait.ge @!p0 [sflag:s0], s1  }
0x310: {  	s1 =	ssub.s32 @!p0 $0x0, s1;
	[sflag:s0] =	ssyncset.done @!p0 $0x0  }
0x311: {  	[sflag:s0] =	ssyncadd.s32 @!p0 s1  }
0x312: {  	[bflag:$0x3] =	sbarrier.arrive $0xFFFF  }
0x313: {  	_ =	shalt  }

</sc_bundles>
